<compile_context>
chip_gen: v7x
topology: tpu7x:2x2x1
jax: 0.10.2.dev20260603
libtpu: 0.0.44.dev20260713+nightly
codegen_flags: <defaults>
</compile_context>

<pallas_src>
import functools

import jax
import jax.numpy as jnp
from jax import lax
from jax.experimental import pallas as pl
from jax.experimental.pallas import tpu as pltpu
from jax.experimental.pallas import tpu_sc as plsc

N = 10000
E = 320000
D = 128
B = 16

NC = 2
NS = 16
K = 125
EPW = E // (NC * NS)
NCHUNK = EPW // K
NSTAGE = 2
SLAB = NCHUNK // NSTAGE
CH = 400
NCH = N // CH


def _sc_spmm(x, ei3):
    mesh = plsc.VectorSubcoreMesh(core_axis_name="c", subcore_axis_name="s")

    @functools.partial(
        pl.kernel,
        out_type=(
            jax.ShapeDtypeStruct((N, D), jnp.float32),
            jax.ShapeDtypeStruct((N, D), jnp.float32),
        ),
        mesh=mesh,
        scratch_types=[
            pltpu.VMEM((SLAB, K), jnp.int32),
            pltpu.VMEM((SLAB, K), jnp.int32),
            pltpu.VMEM((K, D), jnp.float32),
            pltpu.VMEM((K, D), jnp.float32),
            pltpu.VMEM_SHARED((N, D), jnp.float32),
            pltpu.SemaphoreType.DMA,
            pltpu.SemaphoreType.DMA,
            pltpu.SemaphoreType.DMA,
        ],
    )
    def spmm(x_hbm, ei_hbm, out0, out1, srcb, dstb,
             rows0, rows1, acc, gsem0, gsem1, isem):
        c = lax.axis_index("c")
        s = lax.axis_index("s")
        src_hbm = ei_hbm.at[0]
        dst_hbm = ei_hbm.at[1]

        for t in range(2):
            j = s + NS * t
            @pl.when(j < NCH)
            def _():
                r0 = pl.multiple_of(j * CH, CH)
                pltpu.async_copy(x_hbm.at[pl.ds(r0, CH)], acc.at[pl.ds(r0, CH)],
                                 isem)

        rb = pl.multiple_of((c * NS + s) * NCHUNK, NCHUNK)

        for stage in range(NSTAGE):
            sb = pl.multiple_of(rb + stage * SLAB, SLAB)
            pltpu.sync_copy(src_hbm.at[pl.ds(sb, SLAB)], srcb)
            pltpu.sync_copy(dst_hbm.at[pl.ds(sb, SLAB)], dstb)

            pltpu.async_copy(x_hbm.at[srcb.at[0]], rows0, gsem0)
            pltpu.async_copy(x_hbm.at[srcb.at[1]], rows1, gsem1)

            if stage == 0:
                for t in range(2):
                    j = s + NS * t
                    @pl.when(j < NCH)
                    def _():
                        r0 = pl.multiple_of(j * CH, CH)
                        pltpu.make_async_copy(x_hbm.at[pl.ds(r0, CH)],
                                              acc.at[pl.ds(r0, CH)], isem).wait()
                plsc.subcore_barrier()

            def step(i, carry):
                j0 = 2 * i
                j1 = 2 * i + 1
                pltpu.make_async_copy(x_hbm.at[srcb.at[j0]], rows0, gsem0).wait()
                pltpu.sync_copy(rows0, acc.at[dstb.at[j0]], add=True)

                @pl.when(i < SLAB // 2 - 1)
                def _():
                    pltpu.async_copy(x_hbm.at[srcb.at[j0 + 2]], rows0, gsem0)

                pltpu.make_async_copy(x_hbm.at[srcb.at[j1]], rows1, gsem1).wait()
                pltpu.sync_copy(rows1, acc.at[dstb.at[j1]], add=True)

                @pl.when(i < SLAB // 2 - 1)
                def _():
                    pltpu.async_copy(x_hbm.at[srcb.at[j1 + 2]], rows1, gsem1)

                return carry

            lax.fori_loop(0, SLAB // 2, step, 0)

        plsc.subcore_barrier()

        for t in range(2):
            j = s + NS * t
            @pl.when((j < NCH) & (c == 0))
            def _():
                r0 = pl.multiple_of(j * CH, CH)
                pltpu.sync_copy(acc.at[pl.ds(r0, CH)], out0.at[pl.ds(r0, CH)])

            @pl.when((j < NCH) & (c == 1))
            def _():
                r0 = pl.multiple_of(j * CH, CH)
                pltpu.sync_copy(acc.at[pl.ds(r0, CH)], out1.at[pl.ds(r0, CH)])

    return spmm(x, ei3)


BLK = 2000
NBLK = N // BLK


def _tc_body(x_ref, a0_ref, a1_ref, bat_ref, eps_ref, w_ref, bias_ref,
             out_ref, pooled_ref, seg_acc, segb_acc):
    i = pl.program_id(0)
    eps = eps_ref[0, 0]
    out = (eps - 1.0) * x_ref[...] + a0_ref[...] + a1_ref[...]
    out = jnp.maximum(out, 0.0)
    out_ref[...] = out

    onehot = (bat_ref[...] ==
              lax.broadcasted_iota(jnp.int32, (BLK, B), 1)).astype(jnp.float32)
    seg_part = lax.dot_general(onehot, out, (((0,), (0,)), ((), ())),
                               preferred_element_type=jnp.float32)
    bias_b = jnp.broadcast_to(bias_ref[...], (BLK, D))
    segb_part = lax.dot_general(onehot, bias_b, (((0,), (0,)), ((), ())),
                                preferred_element_type=jnp.float32)

    @pl.when(i == 0)
    def _():
        seg_acc[...] = jnp.zeros_like(seg_acc)
        segb_acc[...] = jnp.zeros_like(segb_acc)

    seg_acc[...] += seg_part
    segb_acc[...] += segb_part

    @pl.when(i == NBLK - 1)
    def _():
        pooled_ref[...] = lax.dot_general(
            seg_acc[...], w_ref[...], (((1,), (1,)), ((), ())),
            preferred_element_type=jnp.float32) + segb_acc[...]


def _tc_fuse(x, agg0, agg1, batch2d, eps2d, W, bias2d):
    return pl.pallas_call(
        _tc_body,
        grid=(NBLK,),
        in_specs=[
            pl.BlockSpec((BLK, D), lambda i: (i, 0)),
            pl.BlockSpec((BLK, D), lambda i: (i, 0)),
            pl.BlockSpec((BLK, D), lambda i: (i, 0)),
            pl.BlockSpec((BLK, 1), lambda i: (i, 0)),
            pl.BlockSpec(memory_space=pltpu.SMEM),
            pl.BlockSpec((D, D), lambda i: (0, 0)),
            pl.BlockSpec((1, D), lambda i: (0, 0)),
        ],
        out_specs=[
            pl.BlockSpec((BLK, D), lambda i: (i, 0)),
            pl.BlockSpec((B, D), lambda i: (0, 0)),
        ],
        out_shape=[
            jax.ShapeDtypeStruct((N, D), jnp.float32),
            jax.ShapeDtypeStruct((B, D), jnp.float32),
        ],
        scratch_shapes=[
            pltpu.VMEM((B, D), jnp.float32),
            pltpu.VMEM((B, D), jnp.float32),
        ],
    )(x, agg0, agg1, batch2d, eps2d, W, bias2d)


def kernel(x, edge_index, batch, eps, W, b):
    agg0, agg1 = _sc_spmm(x, edge_index.reshape(2, E // K, K))
    out, pooled2 = _tc_fuse(x, agg0, agg1,
                            batch.reshape(N, 1), eps.reshape(1, 1),
                            W, b.reshape(1, D))
    return (out, pooled2)

# --- scband reference (transcript-rebuilt; emitter-appended) ---
"""Pipeline reference for scband-act-ginlayer-53060025975246 (READ-ONLY COPY).

The authoritative reference and input builder live on the scoring server;
editing this copy changes nothing except your own understanding.
"""

import jax, jax.numpy as jnp
import numpy as np

N = 10000
E = 320000
D = 128
P = 128
B = 16


def setup_inputs(seed: int = 0) -> dict:
    key = jax.random.key(seed)
    k1, k2, k3, k4 = jax.random.split(key, 4)
    x = jax.random.normal(k1, (N, D), dtype=jnp.float32)
    edge_index = jax.random.randint(k2, (2, E), 0, N, dtype=jnp.int32)
    batch = jnp.sort(jax.random.randint(k3, (N,), 0, B, dtype=jnp.int32))
    eps = jnp.zeros((1,), dtype=jnp.float32)
    W = (jax.random.normal(k4, (P, D), dtype=jnp.float32) * 0.05)
    b = jnp.zeros((P,), dtype=jnp.float32)
    return {"x": x, "edge_index": edge_index, "batch": batch, "eps": eps, "W": W, "b": b}


def reference(x, edge_index, batch, eps, W, b):
    # spmm: sum of neighbor features h_j for each destination node i (scatter-add)
    src = edge_index[0]
    dst = edge_index[1]
    agg = jnp.zeros_like(x).at[dst].add(x[src])
    # GIN update: (1 + eps) * h_i + sum_{j in N(i)} h_j
    out = (1.0 + eps) * x + agg
    # apply_func is None, norm is None; activation = ReLU
    out = jax.nn.relu(out)
    # linear_prediction: QLinear(out_features -> pooled_features)
    pooled = out @ W.T + b
    # graph-level sum pooling via scatter_add over graph-batch ids
    pooled2 = jax.ops.segment_sum(pooled, batch, num_segments=B)
    # dropout = 0.0 -> identity
    return (out, pooled2)

if __name__ == "__main__":
    import jax
    _d = setup_inputs()
    print(jax.jit(kernel)(*tuple(_d.values())))

</pallas_src>

<mosaic_0001>
#map = affine_map<(d0, d1) -> (0, 0)>
#map1 = affine_map<(d0, d1) -> (0, 0, 0)>
module attributes {stable_mosaic.version = 14 : i64} {
  func.func @spmm(%arg0: i32, %arg1: i32, %arg2: memref<10000x128xf32, #tpu.memory_space<hbm>>, %arg3: memref<2x2560x125xi32, #tpu.memory_space<hbm>>, %arg4: memref<10000x128xf32, #tpu.memory_space<hbm>>, %arg5: memref<10000x128xf32, #tpu.memory_space<hbm>>, %arg6: memref<40x125xi32, #tpu.memory_space<vmem>>, %arg7: memref<40x125xi32, #tpu.memory_space<vmem>>, %arg8: memref<125x128xf32, #tpu.memory_space<vmem>>, %arg9: memref<125x128xf32, #tpu.memory_space<vmem>>, %arg10: memref<10000x128xf32, #tpu.memory_space<vmem_shared>>, %arg11: memref<!tpu.dma_semaphore, #tpu.memory_space<semaphore_mem>>, %arg12: memref<!tpu.dma_semaphore, #tpu.memory_space<semaphore_mem>>, %arg13: memref<!tpu.dma_semaphore, #tpu.memory_space<semaphore_mem>>) attributes {dimension_semantics = [#tpu.dimension_semantics<core_parallel>, #tpu.dimension_semantics<subcore_parallel>], iteration_bounds = array<i64: 2, 16>, scalar_prefetch = 0 : i64, scratch_operands = 8 : i64, tpu.core_type = #tpu.core_type<sc_vector_subcore>, window_params = [{transform_indices = #map}, {transform_indices = #map1}, {transform_indices = #map}, {transform_indices = #map}]} {
    %add3A = arith.constant 0 : i32
    %add3A_0 = arith.addi %arg1, %add3A : i32
    %lt3A = arith.constant 25 : i32
    %lt3A_1 = arith.cmpi slt, %add3A_0, %lt3A : i32
    %convert_element_type3A = arith.extui %lt3A_1 : i1 to i32
    %cond3A = arith.constant 0 : i32
    %cond3A_2 = arith.cmpi ne, %convert_element_type3A, %cond3A : i32
    scf.if %cond3A_2 {
      %mul3A_110 = arith.constant 400 : i32
      %mul3A_111 = arith.muli %add3A_0, %mul3A_110 : i32
      %multiple_of3A_112 = tpu.assume_multiple %mul3A_111, 400 : i32
      %dma_start3A_113 = arith.constant 0 : i32
      %dma_start3A_114 = tpu.memref_slice %arg10[%multiple_of3A_112, %dma_start3A_113] : memref<10000x128xf32, #tpu.memory_space<vmem_shared>> -> memref<400x128xf32, #tpu.memory_space<vmem_shared>>
      %dma_start3A_115 = arith.constant 0 : i32
      %dma_start3A_116 = tpu.memref_slice %arg2[%multiple_of3A_112, %dma_start3A_115] : memref<10000x128xf32, #tpu.memory_space<hbm>> -> memref<400x128xf32, #tpu.memory_space<hbm>>
      tpu.enqueue_dma source(%dma_start3A_116 : memref<400x128xf32, #tpu.memory_space<hbm>>) target(%dma_start3A_114 : memref<400x128xf32, #tpu.memory_space<vmem_shared>>) target_semaphore(%arg13 : memref<!tpu.dma_semaphore, #tpu.memory_space<semaphore_mem>>)
    } else {
    }
    %add3A_3 = arith.constant 16 : i32
    %add3A_4 = arith.addi %arg1, %add3A_3 : i32
    %lt3A_5 = arith.constant 25 : i32
    %lt3A_6 = arith.cmpi slt, %add3A_4, %lt3A_5 : i32
    %convert_element_type3A_7 = arith.extui %lt3A_6 : i1 to i32
    %cond3A_8 = arith.constant 0 : i32
    %cond3A_9 = arith.cmpi ne, %convert_element_type3A_7, %cond3A_8 : i32
    scf.if %cond3A_9 {
      %mul3A_110 = arith.constant 400 : i32
      %mul3A_111 = arith.muli %add3A_4, %mul3A_110 : i32
      %multiple_of3A_112 = tpu.assume_multiple %mul3A_111, 400 : i32
      %dma_start3A_113 = arith.constant 0 : i32
      %dma_start3A_114 = tpu.memref_slice %arg10[%multiple_of3A_112, %dma_start3A_113] : memref<10000x128xf32, #tpu.memory_space<vmem_shared>> -> memref<400x128xf32, #tpu.memory_space<vmem_shared>>
      %dma_start3A_115 = arith.constant 0 : i32
      %dma_start3A_116 = tpu.memref_slice %arg2[%multiple_of3A_112, %dma_start3A_115] : memref<10000x128xf32, #tpu.memory_space<hbm>> -> memref<400x128xf32, #tpu.memory_space<hbm>>
      tpu.enqueue_dma source(%dma_start3A_116 : memref<400x128xf32, #tpu.memory_space<hbm>>) target(%dma_start3A_114 : memref<400x128xf32, #tpu.memory_space<vmem_shared>>) target_semaphore(%arg13 : memref<!tpu.dma_semaphore, #tpu.memory_space<semaphore_mem>>)
    } else {
    }
    %mul3A = arith.constant 16 : i32
    %mul3A_10 = arith.muli %arg0, %mul3A : i32
    %add3A_11 = arith.addi %mul3A_10, %arg1 : i32
    %mul3A_12 = arith.constant 80 : i32
    %mul3A_13 = arith.muli %add3A_11, %mul3A_12 : i32
    %multiple_of3A = tpu.assume_multiple %mul3A_13, 80 : i32
    %add3A_14 = arith.constant 0 : i32
    %add3A_15 = arith.addi %multiple_of3A, %add3A_14 : i32
    %multiple_of3A_16 = tpu.assume_multiple %add3A_15, 40 : i32
    %run_scoped3A = arith.constant 0 : i32
    "tpu.region"() ({
      %run_scoped3A_110 = tpu.sem_alloc : memref<!tpu.dma_semaphore, #tpu.memory_space<semaphore_mem>>
      %dma_start3A_111 = arith.constant 0 : i32
      %dma_start3A_112 = arith.constant 0 : i32
      %dma_start3A_113 = tpu.memref_slice %arg3[%run_scoped3A, %dma_start3A_111, %dma_start3A_112] : memref<2x2560x125xi32, #tpu.memory_space<hbm>> -> memref<1x2560x125xi32, #tpu.memory_space<hbm>>
      %dma_start3A_114 = tpu.memref_squeeze %dma_start3A_113 : memref<1x2560x125xi32, #tpu.memory_space<hbm>> -> memref<2560x125xi32, #tpu.memory_space<hbm>>
      %dma_start3A_115 = arith.constant 0 : i32
      %dma_start3A_116 = tpu.memref_slice %dma_start3A_114[%multiple_of3A_16, %dma_start3A_115] : memref<2560x125xi32, #tpu.memory_space<hbm>> -> memref<40x125xi32, #tpu.memory_space<hbm>>
      %dma_start3A_117 = arith.constant 0 : i32
      %dma_start3A_118 = arith.constant 0 : i32
      %dma_start3A_119 = tpu.memref_slice %arg3[%run_scoped3A, %dma_start3A_117, %dma_start3A_118] : memref<2x2560x125xi32, #tpu.memory_space<hbm>> -> memref<1x2560x125xi32, #tpu.memory_space<hbm>>
      %dma_start3A_120 = tpu.memref_squeeze %dma_start3A_119 : memref<1x2560x125xi32, #tpu.memory_space<hbm>> -> memref<2560x125xi32, #tpu.memory_space<hbm>>
      %dma_start3A_121 = arith.constant 0 : i32
      %dma_start3A_122 = tpu.memref_slice %dma_start3A_120[%multiple_of3A_16, %dma_start3A_121] : memref<2560x125xi32, #tpu.memory_space<hbm>> -> memref<40x125xi32, #tpu.memory_space<hbm>>
      tpu.enqueue_dma source(%dma_start3A_122 : memref<40x125xi32, #tpu.memory_space<hbm>>) target(%arg6 : memref<40x125xi32, #tpu.memory_space<vmem>>) target_semaphore(%run_scoped3A_110 : memref<!tpu.dma_semaphore, #tpu.memory_space<semaphore_mem>>)
      %dma_wait3A = arith.constant 0 : i32
      %dma_wait3A_123 = arith.constant 0 : i32
      %dma_wait3A_124 = tpu.memref_slice %arg3[%run_scoped3A, %dma_wait3A, %dma_wait3A_123] : memref<2x2560x125xi32, #tpu.memory_space<hbm>> -> memref<1x2560x125xi32, #tpu.memory_space<hbm>>
      %dma_wait3A_125 = tpu.memref_squeeze %dma_wait3A_124 : memref<1x2560x125xi32, #tpu.memory_space<hbm>> -> memref<2560x125xi32, #tpu.memory_space<hbm>>
      %dma_wait3A_126 = arith.constant 0 : i32
      %dma_wait3A_127 = tpu.memref_slice %dma_wait3A_125[%multiple_of3A_16, %dma_wait3A_126] : memref<2560x125xi32, #tpu.memory_space<hbm>> -> memref<40x125xi32, #tpu.memory_space<hbm>>
      %dma_wait3A_128 = arith.constant 0 : i32
      %dma_wait3A_129 = arith.constant 0 : i32
      %dma_wait3A_130 = tpu.memref_slice %arg3[%run_scoped3A, %dma_wait3A_128, %dma_wait3A_129] : memref<2x2560x125xi32, #tpu.memory_space<hbm>> -> memref<1x2560x125xi32, #tpu.memory_space<hbm>>
      %dma_wait3A_131 = tpu.memref_squeeze %dma_wait3A_130 : memref<1x2560x125xi32, #tpu.memory_space<hbm>> -> memref<2560x125xi32, #tpu.memory_space<hbm>>
      %dma_wait3A_132 = arith.constant 0 : i32
      %dma_wait3A_133 = tpu.memref_slice %dma_wait3A_131[%multiple_of3A_16, %dma_wait3A_132] : memref<2560x125xi32, #tpu.memory_space<hbm>> -> memref<40x125xi32, #tpu.memory_space<hbm>>
      tpu.wait_dma2 semaphore(%run_scoped3A_110 : memref<!tpu.dma_semaphore, #tpu.memory_space<semaphore_mem>>) src(%dma_wait3A_133 : memref<40x125xi32, #tpu.memory_space<hbm>>) dst(%arg6 : memref<40x125xi32, #tpu.memory_space<vmem>>)
      tpu.yield
    }) : () -> ()
    %run_scoped3A_17 = arith.constant 1 : i32
    "tpu.region"() ({
      %run_scoped3A_110 = tpu.sem_alloc : memref<!tpu.dma_semaphore, #tpu.memory_space<semaphore_mem>>
      %dma_start3A_111 = arith.constant 0 : i32
      %dma_start3A_112 = arith.constant 0 : i32
      %dma_start3A_113 = tpu.memref_slice %arg3[%run_scoped3A_17, %dma_start3A_111, %dma_start3A_112] : memref<2x2560x125xi32, #tpu.memory_space<hbm>> -> memref<1x2560x125xi32, #tpu.memory_space<hbm>>
      %dma_start3A_114 = tpu.memref_squeeze %dma_start3A_113 : memref<1x2560x125xi32, #tpu.memory_space<hbm>> -> memref<2560x125xi32, #tpu.memory_space<hbm>>
      %dma_start3A_115 = arith.constant 0 : i32
      %dma_start3A_116 = tpu.memref_slice %dma_start3A_114[%multiple_of3A_16, %dma_start3A_115] : memref<2560x125xi32, #tpu.memory_space<hbm>> -> memref<40x125xi32, #tpu.memory_space<hbm>>
      %dma_start3A_117 = arith.constant 0 : i32
      %dma_start3A_118 = arith.constant 0 : i32
      %dma_start3A_119 = tpu.memref_slice %arg3[%run_scoped3A_17, %dma_start3A_117, %dma_start3A_118] : memref<2x2560x125xi32, #tpu.memory_space<hbm>> -> memref<1x2560x125xi32, #tpu.memory_space<hbm>>
      %dma_start3A_120 = tpu.memref_squeeze %dma_start3A_119 : memref<1x2560x125xi32, #tpu.memory_space<hbm>> -> memref<2560x125xi32, #tpu.memory_space<hbm>>
      %dma_start3A_121 = arith.constant 0 : i32
      %dma_start3A_122 = tpu.memref_slice %dma_start3A_120[%multiple_of3A_16, %dma_start3A_121] : memref<2560x125xi32, #tpu.memory_space<hbm>> -> memref<40x125xi32, #tpu.memory_space<hbm>>
      tpu.enqueue_dma source(%dma_start3A_122 : memref<40x125xi32, #tpu.memory_space<hbm>>) target(%arg7 : memref<40x125xi32, #tpu.memory_space<vmem>>) target_semaphore(%run_scoped3A_110 : memref<!tpu.dma_semaphore, #tpu.memory_space<semaphore_mem>>)
      %dma_wait3A = arith.constant 0 : i32
      %dma_wait3A_123 = arith.constant 0 : i32
      %dma_wait3A_124 = tpu.memref_slice %arg3[%run_scoped3A_17, %dma_wait3A, %dma_wait3A_123] : memref<2x2560x125xi32, #tpu.memory_space<hbm>> -> memref<1x2560x125xi32, #tpu.memory_space<hbm>>
      %dma_wait3A_125 = tpu.memref_squeeze %dma_wait3A_124 : memref<1x2560x125xi32, #tpu.memory_space<hbm>> -> memref<2560x125xi32, #tpu.memory_space<hbm>>
      %dma_wait3A_126 = arith.constant 0 : i32
      %dma_wait3A_127 = tpu.memref_slice %dma_wait3A_125[%multiple_of3A_16, %dma_wait3A_126] : memref<2560x125xi32, #tpu.memory_space<hbm>> -> memref<40x125xi32, #tpu.memory_space<hbm>>
      %dma_wait3A_128 = arith.constant 0 : i32
      %dma_wait3A_129 = arith.constant 0 : i32
      %dma_wait3A_130 = tpu.memref_slice %arg3[%run_scoped3A_17, %dma_wait3A_128, %dma_wait3A_129] : memref<2x2560x125xi32, #tpu.memory_space<hbm>> -> memref<1x2560x125xi32, #tpu.memory_space<hbm>>
      %dma_wait3A_131 = tpu.memref_squeeze %dma_wait3A_130 : memref<1x2560x125xi32, #tpu.memory_space<hbm>> -> memref<2560x125xi32, #tpu.memory_space<hbm>>
      %dma_wait3A_132 = arith.constant 0 : i32
      %dma_wait3A_133 = tpu.memref_slice %dma_wait3A_131[%multiple_of3A_16, %dma_wait3A_132] : memref<2560x125xi32, #tpu.memory_space<hbm>> -> memref<40x125xi32, #tpu.memory_space<hbm>>
      tpu.wait_dma2 semaphore(%run_scoped3A_110 : memref<!tpu.dma_semaphore, #tpu.memory_space<semaphore_mem>>) src(%dma_wait3A_133 : memref<40x125xi32, #tpu.memory_space<hbm>>) dst(%arg7 : memref<40x125xi32, #tpu.memory_space<vmem>>)
      tpu.yield
    }) : () -> ()
    %dma_start3A = arith.constant 0 : i32
    %dma_start3A_18 = arith.constant 0 : i32
    %dma_start3A_19 = tpu.memref_slice %arg6[%dma_start3A, %dma_start3A_18] : memref<40x125xi32, #tpu.memory_space<vmem>> -> memref<1x125xi32, #tpu.memory_space<vmem>>
    %dma_start3A_20 = tpu.memref_squeeze %dma_start3A_19 : memref<1x125xi32, #tpu.memory_space<vmem>> -> memref<125xi32, #tpu.memory_space<vmem>>
    %dma_start3A_21 = arith.constant 0 : i32
    %dma_start3A_22 = arith.constant 0 : i32
    %dma_start3A_23 = tpu.memref_slice %arg2[%dma_start3A_21, %dma_start3A_22] : memref<10000x128xf32, #tpu.memory_space<hbm>> -> memref<10000x128xf32, #tpu.memory_space<hbm>>
    tpu.enqueue_indirect_dma source(%dma_start3A_23 : memref<10000x128xf32, #tpu.memory_space<hbm>>) target(%arg8 : memref<125x128xf32, #tpu.memory_space<vmem>>) offsets(%dma_start3A_20 : memref<125xi32, #tpu.memory_space<vmem>>) semaphore(%arg11 : memref<!tpu.dma_semaphore, #tpu.memory_space<semaphore_mem>>)
    %dma_start3A_24 = arith.constant 1 : i32
    %dma_start3A_25 = arith.constant 0 : i32
    %dma_start3A_26 = tpu.memref_slice %arg6[%dma_start3A_24, %dma_start3A_25] : memref<40x125xi32, #tpu.memory_space<vmem>> -> memref<1x125xi32, #tpu.memory_space<vmem>>
    %dma_start3A_27 = tpu.memref_squeeze %dma_start3A_26 : memref<1x125xi32, #tpu.memory_space<vmem>> -> memref<125xi32, #tpu.memory_space<vmem>>
    %dma_start3A_28 = arith.constant 0 : i32
    %dma_start3A_29 = arith.constant 0 : i32
    %dma_start3A_30 = tpu.memref_slice %arg2[%dma_start3A_28, %dma_start3A_29] : memref<10000x128xf32, #tpu.memory_space<hbm>> -> memref<10000x128xf32, #tpu.memory_space<hbm>>
    tpu.enqueue_indirect_dma source(%dma_start3A_30 : memref<10000x128xf32, #tpu.memory_space<hbm>>) target(%arg9 : memref<125x128xf32, #tpu.memory_space<vmem>>) offsets(%dma_start3A_27 : memref<125xi32, #tpu.memory_space<vmem>>) semaphore(%arg12 : memref<!tpu.dma_semaphore, #tpu.memory_space<semaphore_mem>>)
    %add3A_31 = arith.constant 0 : i32
    %add3A_32 = arith.addi %arg1, %add3A_31 : i32
    %lt3A_33 = arith.constant 25 : i32
    %lt3A_34 = arith.cmpi slt, %add3A_32, %lt3A_33 : i32
    %convert_element_type3A_35 = arith.extui %lt3A_34 : i1 to i32
    %cond3A_36 = arith.constant 0 : i32
    %cond3A_37 = arith.cmpi ne, %convert_element_type3A_35, %cond3A_36 : i32
    scf.if %cond3A_37 {
      %mul3A_110 = arith.constant 400 : i32
      %mul3A_111 = arith.muli %add3A_32, %mul3A_110 : i32
      %multiple_of3A_112 = tpu.assume_multiple %mul3A_111, 400 : i32
      %dma_wait3A = arith.constant 0 : i32
      %dma_wait3A_113 = tpu.memref_slice %arg10[%multiple_of3A_112, %dma_wait3A] : memref<10000x128xf32, #tpu.memory_space<vmem_shared>> -> memref<400x128xf32, #tpu.memory_space<vmem_shared>>
      %dma_wait3A_114 = arith.constant 0 : i32
      %dma_wait3A_115 = tpu.memref_slice %arg2[%multiple_of3A_112, %dma_wait3A_114] : memref<10000x128xf32, #tpu.memory_space<hbm>> -> memref<400x128xf32, #tpu.memory_space<hbm>>
      tpu.wait_dma2 semaphore(%arg13 : memref<!tpu.dma_semaphore, #tpu.memory_space<semaphore_mem>>) src(%dma_wait3A_115 : memref<400x128xf32, #tpu.memory_space<hbm>>) dst(%dma_wait3A_113 : memref<400x128xf32, #tpu.memory_space<vmem_shared>>)
    } else {
    }
    %add3A_38 = arith.constant 16 : i32
    %add3A_39 = arith.addi %arg1, %add3A_38 : i32
    %lt3A_40 = arith.constant 25 : i32
    %lt3A_41 = arith.cmpi slt, %add3A_39, %lt3A_40 : i32
    %convert_element_type3A_42 = arith.extui %lt3A_41 : i1 to i32
    %cond3A_43 = arith.constant 0 : i32
    %cond3A_44 = arith.cmpi ne, %convert_element_type3A_42, %cond3A_43 : i32
    scf.if %cond3A_44 {
      %mul3A_110 = arith.constant 400 : i32
      %mul3A_111 = arith.muli %add3A_39, %mul3A_110 : i32
      %multiple_of3A_112 = tpu.assume_multiple %mul3A_111, 400 : i32
      %dma_wait3A = arith.constant 0 : i32
      %dma_wait3A_113 = tpu.memref_slice %arg10[%multiple_of3A_112, %dma_wait3A] : memref<10000x128xf32, #tpu.memory_space<vmem_shared>> -> memref<400x128xf32, #tpu.memory_space<vmem_shared>>
      %dma_wait3A_114 = arith.constant 0 : i32
      %dma_wait3A_115 = tpu.memref_slice %arg2[%multiple_of3A_112, %dma_wait3A_114] : memref<10000x128xf32, #tpu.memory_space<hbm>> -> memref<400x128xf32, #tpu.memory_space<hbm>>
      tpu.wait_dma2 semaphore(%arg13 : memref<!tpu.dma_semaphore, #tpu.memory_space<semaphore_mem>>) src(%dma_wait3A_115 : memref<400x128xf32, #tpu.memory_space<hbm>>) dst(%dma_wait3A_113 : memref<400x128xf32, #tpu.memory_space<vmem_shared>>)
    } else {
    }
    %barrier3A = arith.constant 0 : index
    tpu.barrier barrier_id(%barrier3A)
    %scan3A = arith.constant 0 : i32
    %scan3A_45 = arith.constant 0 : i32
    %scan3A_46 = arith.constant 20 : i32
    %scan3A_47 = arith.addi %scan3A_45, %scan3A_46 : i32
    %scan3A_48 = arith.constant 1 : i32
    scf.for %scan3A_110 = %scan3A_45 to %scan3A_47 step %scan3A_48  : i32 {
      %mul3A_111 = arith.constant 2 : i32
      %mul3A_112 = arith.muli %mul3A_111, %scan3A_110 : i32
      %mul3A_113 = arith.constant 2 : i32
      %mul3A_114 = arith.muli %mul3A_113, %scan3A_110 : i32
      %add3A_115 = arith.constant 1 : i32
      %add3A_116 = arith.addi %mul3A_114, %add3A_115 : i32
      %dma_wait3A = arith.constant 0 : i32
      %dma_wait3A_117 = tpu.memref_slice %arg6[%mul3A_112, %dma_wait3A] : memref<40x125xi32, #tpu.memory_space<vmem>> -> memref<1x125xi32, #tpu.memory_space<vmem>>
      %dma_wait3A_118 = tpu.memref_squeeze %dma_wait3A_117 : memref<1x125xi32, #tpu.memory_space<vmem>> -> memref<125xi32, #tpu.memory_space<vmem>>
      %dma_wait3A_119 = arith.constant 0 : i32
      %dma_wait3A_120 = arith.constant 0 : i32
      %dma_wait3A_121 = tpu.memref_slice %arg2[%dma_wait3A_119, %dma_wait3A_120] : memref<10000x128xf32, #tpu.memory_space<hbm>> -> memref<10000x128xf32, #tpu.memory_space<hbm>>
      tpu.wait_indirect_dma semaphore(%arg11 : memref<!tpu.dma_semaphore, #tpu.memory_space<semaphore_mem>>) src(%dma_wait3A_121 : memref<10000x128xf32, #tpu.memory_space<hbm>>) dst(%arg8 : memref<125x128xf32, #tpu.memory_space<vmem>>)
      "tpu.region"() ({
        %run_scoped3A_138 = tpu.sem_alloc : memref<!tpu.dma_semaphore, #tpu.memory_space<semaphore_mem>>
        %dma_start3A_139 = arith.constant 0 : i32
        %dma_start3A_140 = tpu.memref_slice %arg7[%mul3A_112, %dma_start3A_139] : memref<40x125xi32, #tpu.memory_space<vmem>> -> memref<1x125xi32, #tpu.memory_space<vmem>>
        %dma_start3A_141 = tpu.memref_squeeze %dma_start3A_140 : memref<1x125xi32, #tpu.memory_space<vmem>> -> memref<125xi32, #tpu.memory_space<vmem>>
        %dma_start3A_142 = arith.constant 0 : i32
        %dma_start3A_143 = arith.constant 0 : i32
        %dma_start3A_144 = tpu.memref_slice %arg10[%dma_start3A_142, %dma_start3A_143] : memref<10000x128xf32, #tpu.memory_space<vmem_shared>> -> memref<10000x128xf32, #tpu.memory_space<vmem_shared>>
        tpu.enqueue_indirect_dma source(%arg8 : memref<125x128xf32, #tpu.memory_space<vmem>>) target(%dma_start3A_144 : memref<10000x128xf32, #tpu.memory_space<vmem_shared>>) offsets(%dma_start3A_141 : memref<125xi32, #tpu.memory_space<vmem>>) semaphore(%run_scoped3A_138 : memref<!tpu.dma_semaphore, #tpu.memory_space<semaphore_mem>>) {add = true}
        %dma_wait3A_145 = arith.constant 0 : i32
        %dma_wait3A_146 = tpu.memref_slice %arg7[%mul3A_112, %dma_wait3A_145] : memref<40x125xi32, #tpu.memory_space<vmem>> -> memref<1x125xi32, #tpu.memory_space<vmem>>
        %dma_wait3A_147 = tpu.memref_squeeze %dma_wait3A_146 : memref<1x125xi32, #tpu.memory_space<vmem>> -> memref<125xi32, #tpu.memory_space<vmem>>
        %dma_wait3A_148 = arith.constant 0 : i32
        %dma_wait3A_149 = arith.constant 0 : i32
        %dma_wait3A_150 = tpu.memref_slice %arg10[%dma_wait3A_148, %dma_wait3A_149] : memref<10000x128xf32, #tpu.memory_space<vmem_shared>> -> memref<10000x128xf32, #tpu.memory_space<vmem_shared>>
        tpu.wait_indirect_dma semaphore(%run_scoped3A_138 : memref<!tpu.dma_semaphore, #tpu.memory_space<semaphore_mem>>) src(%arg8 : memref<125x128xf32, #tpu.memory_space<vmem>>) dst(%dma_wait3A_150 : memref<10000x128xf32, #tpu.memory_space<vmem_shared>>)
        tpu.yield
      }) : () -> ()
      %lt3A_122 = arith.constant 19 : i32
      %lt3A_123 = arith.cmpi slt, %scan3A_110, %lt3A_122 : i32
      %convert_element_type3A_124 = arith.extui %lt3A_123 : i1 to i32
      %cond3A_125 = arith.constant 0 : i32
      %cond3A_126 = arith.cmpi ne, %convert_element_type3A_124, %cond3A_125 : i32
      scf.if %cond3A_126 {
        %add3A_138 = arith.constant 2 : i32
        %add3A_139 = arith.addi %mul3A_112, %add3A_138 : i32
        %dma_start3A_140 = arith.constant 0 : i32
        %dma_start3A_141 = tpu.memref_slice %arg6[%add3A_139, %dma_start3A_140] : memref<40x125xi32, #tpu.memory_space<vmem>> -> memref<1x125xi32, #tpu.memory_space<vmem>>
        %dma_start3A_142 = tpu.memref_squeeze %dma_start3A_141 : memref<1x125xi32, #tpu.memory_space<vmem>> -> memref<125xi32, #tpu.memory_space<vmem>>
        %dma_start3A_143 = arith.constant 0 : i32
        %dma_start3A_144 = arith.constant 0 : i32
        %dma_start3A_145 = tpu.memref_slice %arg2[%dma_start3A_143, %dma_start3A_144] : memref<10000x128xf32, #tpu.memory_space<hbm>> -> memref<10000x128xf32, #tpu.memory_space<hbm>>
        tpu.enqueue_indirect_dma source(%dma_start3A_145 : memref<10000x128xf32, #tpu.memory_space<hbm>>) target(%arg8 : memref<125x128xf32, #tpu.memory_space<vmem>>) offsets(%dma_start3A_142 : memref<125xi32, #tpu.memory_space<vmem>>) semaphore(%arg11 : memref<!tpu.dma_semaphore, #tpu.memory_space<semaphore_mem>>)
      } else {
      }
      %dma_wait3A_127 = arith.constant 0 : i32
      %dma_wait3A_128 = tpu.memref_slice %arg6[%add3A_116, %dma_wait3A_127] : memref<40x125xi32, #tpu.memory_space<vmem>> -> memref<1x125xi32, #tpu.memory_space<vmem>>
      %dma_wait3A_129 = tpu.memref_squeeze %dma_wait3A_128 : memref<1x125xi32, #tpu.memory_space<vmem>> -> memref<125xi32, #tpu.memory_space<vmem>>
      %dma_wait3A_130 = arith.constant 0 : i32
      %dma_wait3A_131 = arith.constant 0 : i32
      %dma_wait3A_132 = tpu.memref_slice %arg2[%dma_wait3A_130, %dma_wait3A_131] : memref<10000x128xf32, #tpu.memory_space<hbm>> -> memref<10000x128xf32, #tpu.memory_space<hbm>>
      tpu.wait_indirect_dma semaphore(%arg12 : memref<!tpu.dma_semaphore, #tpu.memory_space<semaphore_mem>>) src(%dma_wait3A_132 : memref<10000x128xf32, #tpu.memory_space<hbm>>) dst(%arg9 : memref<125x128xf32, #tpu.memory_space<vmem>>)
      "tpu.region"() ({
        %run_scoped3A_138 = tpu.sem_alloc : memref<!tpu.dma_semaphore, #tpu.memory_space<semaphore_mem>>
        %dma_start3A_139 = arith.constant 0 : i32
        %dma_start3A_140 = tpu.memref_slice %arg7[%add3A_116, %dma_start3A_139] : memref<40x125xi32, #tpu.memory_space<vmem>> -> memref<1x125xi32, #tpu.memory_space<vmem>>
        %dma_start3A_141 = tpu.memref_squeeze %dma_start3A_140 : memref<1x125xi32, #tpu.memory_space<vmem>> -> memref<125xi32, #tpu.memory_space<vmem>>
        %dma_start3A_142 = arith.constant 0 : i32
        %dma_start3A_143 = arith.constant 0 : i32
        %dma_start3A_144 = tpu.memref_slice %arg10[%dma_start3A_142, %dma_start3A_143] : memref<10000x128xf32, #tpu.memory_space<vmem_shared>> -> memref<10000x128xf32, #tpu.memory_space<vmem_shared>>
        tpu.enqueue_indirect_dma source(%arg9 : memref<125x128xf32, #tpu.memory_space<vmem>>) target(%dma_start3A_144 : memref<10000x128xf32, #tpu.memory_space<vmem_shared>>) offsets(%dma_start3A_141 : memref<125xi32, #tpu.memory_space<vmem>>) semaphore(%run_scoped3A_138 : memref<!tpu.dma_semaphore, #tpu.memory_space<semaphore_mem>>) {add = true}
        %dma_wait3A_145 = arith.constant 0 : i32
        %dma_wait3A_146 = tpu.memref_slice %arg7[%add3A_116, %dma_wait3A_145] : memref<40x125xi32, #tpu.memory_space<vmem>> -> memref<1x125xi32, #tpu.memory_space<vmem>>
        %dma_wait3A_147 = tpu.memref_squeeze %dma_wait3A_146 : memref<1x125xi32, #tpu.memory_space<vmem>> -> memref<125xi32, #tpu.memory_space<vmem>>
        %dma_wait3A_148 = arith.constant 0 : i32
        %dma_wait3A_149 = arith.constant 0 : i32
        %dma_wait3A_150 = tpu.memref_slice %arg10[%dma_wait3A_148, %dma_wait3A_149] : memref<10000x128xf32, #tpu.memory_space<vmem_shared>> -> memref<10000x128xf32, #tpu.memory_space<vmem_shared>>
        tpu.wait_indirect_dma semaphore(%run_scoped3A_138 : memref<!tpu.dma_semaphore, #tpu.memory_space<semaphore_mem>>) src(%arg9 : memref<125x128xf32, #tpu.memory_space<vmem>>) dst(%dma_wait3A_150 : memref<10000x128xf32, #tpu.memory_space<vmem_shared>>)
        tpu.yield
      }) : () -> ()
      %lt3A_133 = arith.constant 19 : i32
      %lt3A_134 = arith.cmpi slt, %scan3A_110, %lt3A_133 : i32
      %convert_element_type3A_135 = arith.extui %lt3A_134 : i1 to i32
      %cond3A_136 = arith.constant 0 : i32
      %cond3A_137 = arith.cmpi ne, %convert_element_type3A_135, %cond3A_136 : i32
      scf.if %cond3A_137 {
        %add3A_138 = arith.constant 2 : i32
        %add3A_139 = arith.addi %add3A_116, %add3A_138 : i32
        %dma_start3A_140 = arith.constant 0 : i32
        %dma_start3A_141 = tpu.memref_slice %arg6[%add3A_139, %dma_start3A_140] : memref<40x125xi32, #tpu.memory_space<vmem>> -> memref<1x125xi32, #tpu.memory_space<vmem>>
        %dma_start3A_142 = tpu.memref_squeeze %dma_start3A_141 : memref<1x125xi32, #tpu.memory_space<vmem>> -> memref<125xi32, #tpu.memory_space<vmem>>
        %dma_start3A_143 = arith.constant 0 : i32
        %dma_start3A_144 = arith.constant 0 : i32
        %dma_start3A_145 = tpu.memref_slice %arg2[%dma_start3A_143, %dma_start3A_144] : memref<10000x128xf32, #tpu.memory_space<hbm>> -> memref<10000x128xf32, #tpu.memory_space<hbm>>
        tpu.enqueue_indirect_dma source(%dma_start3A_145 : memref<10000x128xf32, #tpu.memory_space<hbm>>) target(%arg9 : memref<125x128xf32, #tpu.memory_space<vmem>>) offsets(%dma_start3A_142 : memref<125xi32, #tpu.memory_space<vmem>>) semaphore(%arg12 : memref<!tpu.dma_semaphore, #tpu.memory_space<semaphore_mem>>)
      } else {
      }
    }
    %scan3A_49 = arith.constant 20 : i32
    %add3A_50 = arith.constant 40 : i32
    %add3A_51 = arith.addi %multiple_of3A, %add3A_50 : i32
    %multiple_of3A_52 = tpu.assume_multiple %add3A_51, 40 : i32
    %run_scoped3A_53 = arith.constant 0 : i32
    "tpu.region"() ({
      %run_scoped3A_110 = tpu.sem_alloc : memref<!tpu.dma_semaphore, #tpu.memory_space<semaphore_mem>>
      %dma_start3A_111 = arith.constant 0 : i32
      %dma_start3A_112 = arith.constant 0 : i32
      %dma_start3A_113 = tpu.memref_slice %arg3[%run_scoped3A_53, %dma_start3A_111, %dma_start3A_112] : memref<2x2560x125xi32, #tpu.memory_space<hbm>> -> memref<1x2560x125xi32, #tpu.memory_space<hbm>>
      %dma_start3A_114 = tpu.memref_squeeze %dma_start3A_113 : memref<1x2560x125xi32, #tpu.memory_space<hbm>> -> memref<2560x125xi32, #tpu.memory_space<hbm>>
      %dma_start3A_115 = arith.constant 0 : i32
      %dma_start3A_116 = tpu.memref_slice %dma_start3A_114[%multiple_of3A_52, %dma_start3A_115] : memref<2560x125xi32, #tpu.memory_space<hbm>> -> memref<40x125xi32, #tpu.memory_space<hbm>>
      %dma_start3A_117 = arith.constant 0 : i32
      %dma_start3A_118 = arith.constant 0 : i32
      %dma_start3A_119 = tpu.memref_slice %arg3[%run_scoped3A_53, %dma_start3A_117, %dma_start3A_118] : memref<2x2560x125xi32, #tpu.memory_space<hbm>> -> memref<1x2560x125xi32, #tpu.memory_space<hbm>>
      %dma_start3A_120 = tpu.memref_squeeze %dma_start3A_119 : memref<1x2560x125xi32, #tpu.memory_space<hbm>> -> memref<2560x125xi32, #tpu.memory_space<hbm>>
      %dma_start3A_121 = arith.constant 0 : i32
      %dma_start3A_122 = tpu.memref_slice %dma_start3A_120[%multiple_of3A_52, %dma_start3A_121] : memref<2560x125xi32, #tpu.memory_space<hbm>> -> memref<40x125xi32, #tpu.memory_space<hbm>>
      tpu.enqueue_dma source(%dma_start3A_122 : memref<40x125xi32, #tpu.memory_space<hbm>>) target(%arg6 : memref<40x125xi32, #tpu.memory_space<vmem>>) target_semaphore(%run_scoped3A_110 : memref<!tpu.dma_semaphore, #tpu.memory_space<semaphore_mem>>)
      %dma_wait3A = arith.constant 0 : i32
      %dma_wait3A_123 = arith.constant 0 : i32
      %dma_wait3A_124 = tpu.memref_slice %arg3[%run_scoped3A_53, %dma_wait3A, %dma_wait3A_123] : memref<2x2560x125xi32, #tpu.memory_space<hbm>> -> memref<1x2560x125xi32, #tpu.memory_space<hbm>>
      %dma_wait3A_125 = tpu.memref_squeeze %dma_wait3A_124 : memref<1x2560x125xi32, #tpu.memory_space<hbm>> -> memref<2560x125xi32, #tpu.memory_space<hbm>>
      %dma_wait3A_126 = arith.constant 0 : i32
      %dma_wait3A_127 = tpu.memref_slice %dma_wait3A_125[%multiple_of3A_52, %dma_wait3A_126] : memref<2560x125xi32, #tpu.memory_space<hbm>> -> memref<40x125xi32, #tpu.memory_space<hbm>>
      %dma_wait3A_128 = arith.constant 0 : i32
      %dma_wait3A_129 = arith.constant 0 : i32
      %dma_wait3A_130 = tpu.memref_slice %arg3[%run_scoped3A_53, %dma_wait3A_128, %dma_wait3A_129] : memref<2x2560x125xi32, #tpu.memory_space<hbm>> -> memref<1x2560x125xi32, #tpu.memory_space<hbm>>
      %dma_wait3A_131 = tpu.memref_squeeze %dma_wait3A_130 : memref<1x2560x125xi32, #tpu.memory_space<hbm>> -> memref<2560x125xi32, #tpu.memory_space<hbm>>
      %dma_wait3A_132 = arith.constant 0 : i32
      %dma_wait3A_133 = tpu.memref_slice %dma_wait3A_131[%multiple_of3A_52, %dma_wait3A_132] : memref<2560x125xi32, #tpu.memory_space<hbm>> -> memref<40x125xi32, #tpu.memory_space<hbm>>
      tpu.wait_dma2 semaphore(%run_scoped3A_110 : memref<!tpu.dma_semaphore, #tpu.memory_space<semaphore_mem>>) src(%dma_wait3A_133 : memref<40x125xi32, #tpu.memory_space<hbm>>) dst(%arg6 : memref<40x125xi32, #tpu.memory_space<vmem>>)
      tpu.yield
    }) : () -> ()
    %run_scoped3A_54 = arith.constant 1 : i32
    "tpu.region"() ({
      %run_scoped3A_110 = tpu.sem_alloc : memref<!tpu.dma_semaphore, #tpu.memory_space<semaphore_mem>>
      %dma_start3A_111 = arith.constant 0 : i32
      %dma_start3A_112 = arith.constant 0 : i32
      %dma_start3A_113 = tpu.memref_slice %arg3[%run_scoped3A_54, %dma_start3A_111, %dma_start3A_112] : memref<2x2560x125xi32, #tpu.memory_space<hbm>> -> memref<1x2560x125xi32, #tpu.memory_space<hbm>>
      %dma_start3A_114 = tpu.memref_squeeze %dma_start3A_113 : memref<1x2560x125xi32, #tpu.memory_space<hbm>> -> memref<2560x125xi32, #tpu.memory_space<hbm>>
      %dma_start3A_115 = arith.constant 0 : i32
      %dma_start3A_116 = tpu.memref_slice %dma_start3A_114[%multiple_of3A_52, %dma_start3A_115] : memref<2560x125xi32, #tpu.memory_space<hbm>> -> memref<40x125xi32, #tpu.memory_space<hbm>>
      %dma_start3A_117 = arith.constant 0 : i32
      %dma_start3A_118 = arith.constant 0 : i32
      %dma_start3A_119 = tpu.memref_slice %arg3[%run_scoped3A_54, %dma_start3A_117, %dma_start3A_118] : memref<2x2560x125xi32, #tpu.memory_space<hbm>> -> memref<1x2560x125xi32, #tpu.memory_space<hbm>>
      %dma_start3A_120 = tpu.memref_squeeze %dma_start3A_119 : memref<1x2560x125xi32, #tpu.memory_space<hbm>> -> memref<2560x125xi32, #tpu.memory_space<hbm>>
      %dma_start3A_121 = arith.constant 0 : i32
      %dma_start3A_122 = tpu.memref_slice %dma_start3A_120[%multiple_of3A_52, %dma_start3A_121] : memref<2560x125xi32, #tpu.memory_space<hbm>> -> memref<40x125xi32, #tpu.memory_space<hbm>>
      tpu.enqueue_dma source(%dma_start3A_122 : memref<40x125xi32, #tpu.memory_space<hbm>>) target(%arg7 : memref<40x125xi32, #tpu.memory_space<vmem>>) target_semaphore(%run_scoped3A_110 : memref<!tpu.dma_semaphore, #tpu.memory_space<semaphore_mem>>)
      %dma_wait3A = arith.constant 0 : i32
      %dma_wait3A_123 = arith.constant 0 : i32
      %dma_wait3A_124 = tpu.memref_slice %arg3[%run_scoped3A_54, %dma_wait3A, %dma_wait3A_123] : memref<2x2560x125xi32, #tpu.memory_space<hbm>> -> memref<1x2560x125xi32, #tpu.memory_space<hbm>>
      %dma_wait3A_125 = tpu.memref_squeeze %dma_wait3A_124 : memref<1x2560x125xi32, #tpu.memory_space<hbm>> -> memref<2560x125xi32, #tpu.memory_space<hbm>>
      %dma_wait3A_126 = arith.constant 0 : i32
      %dma_wait3A_127 = tpu.memref_slice %dma_wait3A_125[%multiple_of3A_52, %dma_wait3A_126] : memref<2560x125xi32, #tpu.memory_space<hbm>> -> memref<40x125xi32, #tpu.memory_space<hbm>>
      %dma_wait3A_128 = arith.constant 0 : i32
      %dma_wait3A_129 = arith.constant 0 : i32
      %dma_wait3A_130 = tpu.memref_slice %arg3[%run_scoped3A_54, %dma_wait3A_128, %dma_wait3A_129] : memref<2x2560x125xi32, #tpu.memory_space<hbm>> -> memref<1x2560x125xi32, #tpu.memory_space<hbm>>
      %dma_wait3A_131 = tpu.memref_squeeze %dma_wait3A_130 : memref<1x2560x125xi32, #tpu.memory_space<hbm>> -> memref<2560x125xi32, #tpu.memory_space<hbm>>
      %dma_wait3A_132 = arith.constant 0 : i32
      %dma_wait3A_133 = tpu.memref_slice %dma_wait3A_131[%multiple_of3A_52, %dma_wait3A_132] : memref<2560x125xi32, #tpu.memory_space<hbm>> -> memref<40x125xi32, #tpu.memory_space<hbm>>
      tpu.wait_dma2 semaphore(%run_scoped3A_110 : memref<!tpu.dma_semaphore, #tpu.memory_space<semaphore_mem>>) src(%dma_wait3A_133 : memref<40x125xi32, #tpu.memory_space<hbm>>) dst(%arg7 : memref<40x125xi32, #tpu.memory_space<vmem>>)
      tpu.yield
    }) : () -> ()
    %dma_start3A_55 = arith.constant 0 : i32
    %dma_start3A_56 = arith.constant 0 : i32
    %dma_start3A_57 = tpu.memref_slice %arg6[%dma_start3A_55, %dma_start3A_56] : memref<40x125xi32, #tpu.memory_space<vmem>> -> memref<1x125xi32, #tpu.memory_space<vmem>>
    %dma_start3A_58 = tpu.memref_squeeze %dma_start3A_57 : memref<1x125xi32, #tpu.memory_space<vmem>> -> memref<125xi32, #tpu.memory_space<vmem>>
    %dma_start3A_59 = arith.constant 0 : i32
    %dma_start3A_60 = arith.constant 0 : i32
    %dma_start3A_61 = tpu.memref_slice %arg2[%dma_start3A_59, %dma_start3A_60] : memref<10000x128xf32, #tpu.memory_space<hbm>> -> memref<10000x128xf32, #tpu.memory_space<hbm>>
    tpu.enqueue_indirect_dma source(%dma_start3A_61 : memref<10000x128xf32, #tpu.memory_space<hbm>>) target(%arg8 : memref<125x128xf32, #tpu.memory_space<vmem>>) offsets(%dma_start3A_58 : memref<125xi32, #tpu.memory_space<vmem>>) semaphore(%arg11 : memref<!tpu.dma_semaphore, #tpu.memory_space<semaphore_mem>>)
    %dma_start3A_62 = arith.constant 1 : i32
    %dma_start3A_63 = arith.constant 0 : i32
    %dma_start3A_64 = tpu.memref_slice %arg6[%dma_start3A_62, %dma_start3A_63] : memref<40x125xi32, #tpu.memory_space<vmem>> -> memref<1x125xi32, #tpu.memory_space<vmem>>
    %dma_start3A_65 = tpu.memref_squeeze %dma_start3A_64 : memref<1x125xi32, #tpu.memory_space<vmem>> -> memref<125xi32, #tpu.memory_space<vmem>>
    %dma_start3A_66 = arith.constant 0 : i32
    %dma_start3A_67 = arith.constant 0 : i32
    %dma_start3A_68 = tpu.memref_slice %arg2[%dma_start3A_66, %dma_start3A_67] : memref<10000x128xf32, #tpu.memory_space<hbm>> -> memref<10000x128xf32, #tpu.memory_space<hbm>>
    tpu.enqueue_indirect_dma source(%dma_start3A_68 : memref<10000x128xf32, #tpu.memory_space<hbm>>) target(%arg9 : memref<125x128xf32, #tpu.memory_space<vmem>>) offsets(%dma_start3A_65 : memref<125xi32, #tpu.memory_space<vmem>>) semaphore(%arg12 : memref<!tpu.dma_semaphore, #tpu.memory_space<semaphore_mem>>)
    %scan3A_69 = arith.constant 0 : i32
    %scan3A_70 = arith.constant 0 : i32
    %scan3A_71 = arith.constant 20 : i32
    %scan3A_72 = arith.addi %scan3A_70, %scan3A_71 : i32
    %scan3A_73 = arith.constant 1 : i32
    scf.for %scan3A_110 = %scan3A_70 to %scan3A_72 step %scan3A_73  : i32 {
      %mul3A_111 = arith.constant 2 : i32
      %mul3A_112 = arith.muli %mul3A_111, %scan3A_110 : i32
      %mul3A_113 = arith.constant 2 : i32
      %mul3A_114 = arith.muli %mul3A_113, %scan3A_110 : i32
      %add3A_115 = arith.constant 1 : i32
      %add3A_116 = arith.addi %mul3A_114, %add3A_115 : i32
      %dma_wait3A = arith.constant 0 : i32
      %dma_wait3A_117 = tpu.memref_slice %arg6[%mul3A_112, %dma_wait3A] : memref<40x125xi32, #tpu.memory_space<vmem>> -> memref<1x125xi32, #tpu.memory_space<vmem>>
      %dma_wait3A_118 = tpu.memref_squeeze %dma_wait3A_117 : memref<1x125xi32, #tpu.memory_space<vmem>> -> memref<125xi32, #tpu.memory_space<vmem>>
      %dma_wait3A_119 = arith.constant 0 : i32
      %dma_wait3A_120 = arith.constant 0 : i32
      %dma_wait3A_121 = tpu.memref_slice %arg2[%dma_wait3A_119, %dma_wait3A_120] : memref<10000x128xf32, #tpu.memory_space<hbm>> -> memref<10000x128xf32, #tpu.memory_space<hbm>>
      tpu.wait_indirect_dma semaphore(%arg11 : memref<!tpu.dma_semaphore, #tpu.memory_space<semaphore_mem>>) src(%dma_wait3A_121 : memref<10000x128xf32, #tpu.memory_space<hbm>>) dst(%arg8 : memref<125x128xf32, #tpu.memory_space<vmem>>)
      "tpu.region"() ({
        %run_scoped3A_138 = tpu.sem_alloc : memref<!tpu.dma_semaphore, #tpu.memory_space<semaphore_mem>>
        %dma_start3A_139 = arith.constant 0 : i32
        %dma_start3A_140 = tpu.memref_slice %arg7[%mul3A_112, %dma_start3A_139] : memref<40x125xi32, #tpu.memory_space<vmem>> -> memref<1x125xi32, #tpu.memory_space<vmem>>
        %dma_start3A_141 = tpu.memref_squeeze %dma_start3A_140 : memref<1x125xi32, #tpu.memory_space<vmem>> -> memref<125xi32, #tpu.memory_space<vmem>>
        %dma_start3A_142 = arith.constant 0 : i32
        %dma_start3A_143 = arith.constant 0 : i32
        %dma_start3A_144 = tpu.memref_slice %arg10[%dma_start3A_142, %dma_start3A_143] : memref<10000x128xf32, #tpu.memory_space<vmem_shared>> -> memref<10000x128xf32, #tpu.memory_space<vmem_shared>>
        tpu.enqueue_indirect_dma source(%arg8 : memref<125x128xf32, #tpu.memory_space<vmem>>) target(%dma_start3A_144 : memref<10000x128xf32, #tpu.memory_space<vmem_shared>>) offsets(%dma_start3A_141 : memref<125xi32, #tpu.memory_space<vmem>>) semaphore(%run_scoped3A_138 : memref<!tpu.dma_semaphore, #tpu.memory_space<semaphore_mem>>) {add = true}
        %dma_wait3A_145 = arith.constant 0 : i32
        %dma_wait3A_146 = tpu.memref_slice %arg7[%mul3A_112, %dma_wait3A_145] : memref<40x125xi32, #tpu.memory_space<vmem>> -> memref<1x125xi32, #tpu.memory_space<vmem>>
        %dma_wait3A_147 = tpu.memref_squeeze %dma_wait3A_146 : memref<1x125xi32, #tpu.memory_space<vmem>> -> memref<125xi32, #tpu.memory_space<vmem>>
        %dma_wait3A_148 = arith.constant 0 : i32
        %dma_wait3A_149 = arith.constant 0 : i32
        %dma_wait3A_150 = tpu.memref_slice %arg10[%dma_wait3A_148, %dma_wait3A_149] : memref<10000x128xf32, #tpu.memory_space<vmem_shared>> -> memref<10000x128xf32, #tpu.memory_space<vmem_shared>>
        tpu.wait_indirect_dma semaphore(%run_scoped3A_138 : memref<!tpu.dma_semaphore, #tpu.memory_space<semaphore_mem>>) src(%arg8 : memref<125x128xf32, #tpu.memory_space<vmem>>) dst(%dma_wait3A_150 : memref<10000x128xf32, #tpu.memory_space<vmem_shared>>)
        tpu.yield
      }) : () -> ()
      %lt3A_122 = arith.constant 19 : i32
      %lt3A_123 = arith.cmpi slt, %scan3A_110, %lt3A_122 : i32
      %convert_element_type3A_124 = arith.extui %lt3A_123 : i1 to i32
      %cond3A_125 = arith.constant 0 : i32
      %cond3A_126 = arith.cmpi ne, %convert_element_type3A_124, %cond3A_125 : i32
      scf.if %cond3A_126 {
        %add3A_138 = arith.constant 2 : i32
        %add3A_139 = arith.addi %mul3A_112, %add3A_138 : i32
        %dma_start3A_140 = arith.constant 0 : i32
        %dma_start3A_141 = tpu.memref_slice %arg6[%add3A_139, %dma_start3A_140] : memref<40x125xi32, #tpu.memory_space<vmem>> -> memref<1x125xi32, #tpu.memory_space<vmem>>
        %dma_start3A_142 = tpu.memref_squeeze %dma_start3A_141 : memref<1x125xi32, #tpu.memory_space<vmem>> -> memref<125xi32, #tpu.memory_space<vmem>>
        %dma_start3A_143 = arith.constant 0 : i32
        %dma_start3A_144 = arith.constant 0 : i32
        %dma_start3A_145 = tpu.memref_slice %arg2[%dma_start3A_143, %dma_start3A_144] : memref<10000x128xf32, #tpu.memory_space<hbm>> -> memref<10000x128xf32, #tpu.memory_space<hbm>>
        tpu.enqueue_indirect_dma source(%dma_start3A_145 : memref<10000x128xf32, #tpu.memory_space<hbm>>) target(%arg8 : memref<125x128xf32, #tpu.memory_space<vmem>>) offsets(%dma_start3A_142 : memref<125xi32, #tpu.memory_space<vmem>>) semaphore(%arg11 : memref<!tpu.dma_semaphore, #tpu.memory_space<semaphore_mem>>)
      } else {
      }
      %dma_wait3A_127 = arith.constant 0 : i32
      %dma_wait3A_128 = tpu.memref_slice %arg6[%add3A_116, %dma_wait3A_127] : memref<40x125xi32, #tpu.memory_space<vmem>> -> memref<1x125xi32, #tpu.memory_space<vmem>>
      %dma_wait3A_129 = tpu.memref_squeeze %dma_wait3A_128 : memref<1x125xi32, #tpu.memory_space<vmem>> -> memref<125xi32, #tpu.memory_space<vmem>>
      %dma_wait3A_130 = arith.constant 0 : i32
      %dma_wait3A_131 = arith.constant 0 : i32
      %dma_wait3A_132 = tpu.memref_slice %arg2[%dma_wait3A_130, %dma_wait3A_131] : memref<10000x128xf32, #tpu.memory_space<hbm>> -> memref<10000x128xf32, #tpu.memory_space<hbm>>
      tpu.wait_indirect_dma semaphore(%arg12 : memref<!tpu.dma_semaphore, #tpu.memory_space<semaphore_mem>>) src(%dma_wait3A_132 : memref<10000x128xf32, #tpu.memory_space<hbm>>) dst(%arg9 : memref<125x128xf32, #tpu.memory_space<vmem>>)
      "tpu.region"() ({
        %run_scoped3A_138 = tpu.sem_alloc : memref<!tpu.dma_semaphore, #tpu.memory_space<semaphore_mem>>
        %dma_start3A_139 = arith.constant 0 : i32
        %dma_start3A_140 = tpu.memref_slice %arg7[%add3A_116, %dma_start3A_139] : memref<40x125xi32, #tpu.memory_space<vmem>> -> memref<1x125xi32, #tpu.memory_space<vmem>>
        %dma_start3A_141 = tpu.memref_squeeze %dma_start3A_140 : memref<1x125xi32, #tpu.memory_space<vmem>> -> memref<125xi32, #tpu.memory_space<vmem>>
        %dma_start3A_142 = arith.constant 0 : i32
        %dma_start3A_143 = arith.constant 0 : i32
        %dma_start3A_144 = tpu.memref_slice %arg10[%dma_start3A_142, %dma_start3A_143] : memref<10000x128xf32, #tpu.memory_space<vmem_shared>> -> memref<10000x128xf32, #tpu.memory_space<vmem_shared>>
        tpu.enqueue_indirect_dma source(%arg9 : memref<125x128xf32, #tpu.memory_space<vmem>>) target(%dma_start3A_144 : memref<10000x128xf32, #tpu.memory_space<vmem_shared>>) offsets(%dma_start3A_141 : memref<125xi32, #tpu.memory_space<vmem>>) semaphore(%run_scoped3A_138 : memref<!tpu.dma_semaphore, #tpu.memory_space<semaphore_mem>>) {add = true}
        %dma_wait3A_145 = arith.constant 0 : i32
        %dma_wait3A_146 = tpu.memref_slice %arg7[%add3A_116, %dma_wait3A_145] : memref<40x125xi32, #tpu.memory_space<vmem>> -> memref<1x125xi32, #tpu.memory_space<vmem>>
        %dma_wait3A_147 = tpu.memref_squeeze %dma_wait3A_146 : memref<1x125xi32, #tpu.memory_space<vmem>> -> memref<125xi32, #tpu.memory_space<vmem>>
        %dma_wait3A_148 = arith.constant 0 : i32
        %dma_wait3A_149 = arith.constant 0 : i32
        %dma_wait3A_150 = tpu.memref_slice %arg10[%dma_wait3A_148, %dma_wait3A_149] : memref<10000x128xf32, #tpu.memory_space<vmem_shared>> -> memref<10000x128xf32, #tpu.memory_space<vmem_shared>>
        tpu.wait_indirect_dma semaphore(%run_scoped3A_138 : memref<!tpu.dma_semaphore, #tpu.memory_space<semaphore_mem>>) src(%arg9 : memref<125x128xf32, #tpu.memory_space<vmem>>) dst(%dma_wait3A_150 : memref<10000x128xf32, #tpu.memory_space<vmem_shared>>)
        tpu.yield
      }) : () -> ()
      %lt3A_133 = arith.constant 19 : i32
      %lt3A_134 = arith.cmpi slt, %scan3A_110, %lt3A_133 : i32
      %convert_element_type3A_135 = arith.extui %lt3A_134 : i1 to i32
      %cond3A_136 = arith.constant 0 : i32
      %cond3A_137 = arith.cmpi ne, %convert_element_type3A_135, %cond3A_136 : i32
      scf.if %cond3A_137 {
        %add3A_138 = arith.constant 2 : i32
        %add3A_139 = arith.addi %add3A_116, %add3A_138 : i32
        %dma_start3A_140 = arith.constant 0 : i32
        %dma_start3A_141 = tpu.memref_slice %arg6[%add3A_139, %dma_start3A_140] : memref<40x125xi32, #tpu.memory_space<vmem>> -> memref<1x125xi32, #tpu.memory_space<vmem>>
        %dma_start3A_142 = tpu.memref_squeeze %dma_start3A_141 : memref<1x125xi32, #tpu.memory_space<vmem>> -> memref<125xi32, #tpu.memory_space<vmem>>
        %dma_start3A_143 = arith.constant 0 : i32
        %dma_start3A_144 = arith.constant 0 : i32
        %dma_start3A_145 = tpu.memref_slice %arg2[%dma_start3A_143, %dma_start3A_144] : memref<10000x128xf32, #tpu.memory_space<hbm>> -> memref<10000x128xf32, #tpu.memory_space<hbm>>
        tpu.enqueue_indirect_dma source(%dma_start3A_145 : memref<10000x128xf32, #tpu.memory_space<hbm>>) target(%arg9 : memref<125x128xf32, #tpu.memory_space<vmem>>) offsets(%dma_start3A_142 : memref<125xi32, #tpu.memory_space<vmem>>) semaphore(%arg12 : memref<!tpu.dma_semaphore, #tpu.memory_space<semaphore_mem>>)
      } else {
      }
    }
    %scan3A_74 = arith.constant 20 : i32
    %barrier3A_75 = arith.constant 0 : index
    tpu.barrier barrier_id(%barrier3A_75)
    %add3A_76 = arith.constant 0 : i32
    %add3A_77 = arith.addi %arg1, %add3A_76 : i32
    %lt3A_78 = arith.constant 25 : i32
    %lt3A_79 = arith.cmpi slt, %add3A_77, %lt3A_78 : i32
    %eq3A = arith.constant 0 : i32
    %eq3A_80 = arith.cmpi eq, %arg0, %eq3A : i32
    %and3A = arith.andi %lt3A_79, %eq3A_80 : i1
    %convert_element_type3A_81 = arith.extui %and3A : i1 to i32
    %cond3A_82 = arith.constant 0 : i32
    %cond3A_83 = arith.cmpi ne, %convert_element_type3A_81, %cond3A_82 : i32
    scf.if %cond3A_83 {
      %mul3A_110 = arith.constant 400 : i32
      %mul3A_111 = arith.muli %add3A_77, %mul3A_110 : i32
      %multiple_of3A_112 = tpu.assume_multiple %mul3A_111, 400 : i32
      "tpu.region"() ({
        %run_scoped3A_113 = tpu.sem_alloc : memref<!tpu.dma_semaphore, #tpu.memory_space<semaphore_mem>>
        %dma_start3A_114 = arith.constant 0 : i32
        %dma_start3A_115 = tpu.memref_slice %arg4[%multiple_of3A_112, %dma_start3A_114] : memref<10000x128xf32, #tpu.memory_space<hbm>> -> memref<400x128xf32, #tpu.memory_space<hbm>>
        %dma_start3A_116 = arith.constant 0 : i32
        %dma_start3A_117 = tpu.memref_slice %arg10[%multiple_of3A_112, %dma_start3A_116] : memref<10000x128xf32, #tpu.memory_space<vmem_shared>> -> memref<400x128xf32, #tpu.memory_space<vmem_shared>>
        tpu.enqueue_dma source(%dma_start3A_117 : memref<400x128xf32, #tpu.memory_space<vmem_shared>>) target(%dma_start3A_115 : memref<400x128xf32, #tpu.memory_space<hbm>>) target_semaphore(%run_scoped3A_113 : memref<!tpu.dma_semaphore, #tpu.memory_space<semaphore_mem>>)
        %dma_wait3A = arith.constant 0 : i32
        %dma_wait3A_118 = tpu.memref_slice %arg4[%multiple_of3A_112, %dma_wait3A] : memref<10000x128xf32, #tpu.memory_space<hbm>> -> memref<400x128xf32, #tpu.memory_space<hbm>>
        %dma_wait3A_119 = arith.constant 0 : i32
        %dma_wait3A_120 = tpu.memref_slice %arg10[%multiple_of3A_112, %dma_wait3A_119] : memref<10000x128xf32, #tpu.memory_space<vmem_shared>> -> memref<400x128xf32, #tpu.memory_space<vmem_shared>>
        tpu.wait_dma2 semaphore(%run_scoped3A_113 : memref<!tpu.dma_semaphore, #tpu.memory_space<semaphore_mem>>) src(%dma_wait3A_120 : memref<400x128xf32, #tpu.memory_space<vmem_shared>>) dst(%dma_wait3A_118 : memref<400x128xf32, #tpu.memory_space<hbm>>)
        tpu.yield
      }) : () -> ()
    } else {
    }
    %lt3A_84 = arith.constant 25 : i32
    %lt3A_85 = arith.cmpi slt, %add3A_77, %lt3A_84 : i32
    %eq3A_86 = arith.constant 1 : i32
    %eq3A_87 = arith.cmpi eq, %arg0, %eq3A_86 : i32
    %and3A_88 = arith.andi %lt3A_85, %eq3A_87 : i1
    %convert_element_type3A_89 = arith.extui %and3A_88 : i1 to i32
    %cond3A_90 = arith.constant 0 : i32
    %cond3A_91 = arith.cmpi ne, %convert_element_type3A_89, %cond3A_90 : i32
    scf.if %cond3A_91 {
      %mul3A_110 = arith.constant 400 : i32
      %mul3A_111 = arith.muli %add3A_77, %mul3A_110 : i32
      %multiple_of3A_112 = tpu.assume_multiple %mul3A_111, 400 : i32
      "tpu.region"() ({
        %run_scoped3A_113 = tpu.sem_alloc : memref<!tpu.dma_semaphore, #tpu.memory_space<semaphore_mem>>
        %dma_start3A_114 = arith.constant 0 : i32
        %dma_start3A_115 = tpu.memref_slice %arg5[%multiple_of3A_112, %dma_start3A_114] : memref<10000x128xf32, #tpu.memory_space<hbm>> -> memref<400x128xf32, #tpu.memory_space<hbm>>
        %dma_start3A_116 = arith.constant 0 : i32
        %dma_start3A_117 = tpu.memref_slice %arg10[%multiple_of3A_112, %dma_start3A_116] : memref<10000x128xf32, #tpu.memory_space<vmem_shared>> -> memref<400x128xf32, #tpu.memory_space<vmem_shared>>
        tpu.enqueue_dma source(%dma_start3A_117 : memref<400x128xf32, #tpu.memory_space<vmem_shared>>) target(%dma_start3A_115 : memref<400x128xf32, #tpu.memory_space<hbm>>) target_semaphore(%run_scoped3A_113 : memref<!tpu.dma_semaphore, #tpu.memory_space<semaphore_mem>>)
        %dma_wait3A = arith.constant 0 : i32
        %dma_wait3A_118 = tpu.memref_slice %arg5[%multiple_of3A_112, %dma_wait3A] : memref<10000x128xf32, #tpu.memory_space<hbm>> -> memref<400x128xf32, #tpu.memory_space<hbm>>
        %dma_wait3A_119 = arith.constant 0 : i32
        %dma_wait3A_120 = tpu.memref_slice %arg10[%multiple_of3A_112, %dma_wait3A_119] : memref<10000x128xf32, #tpu.memory_space<vmem_shared>> -> memref<400x128xf32, #tpu.memory_space<vmem_shared>>
        tpu.wait_dma2 semaphore(%run_scoped3A_113 : memref<!tpu.dma_semaphore, #tpu.memory_space<semaphore_mem>>) src(%dma_wait3A_120 : memref<400x128xf32, #tpu.memory_space<vmem_shared>>) dst(%dma_wait3A_118 : memref<400x128xf32, #tpu.memory_space<hbm>>)
        tpu.yield
      }) : () -> ()
    } else {
    }
    %add3A_92 = arith.constant 16 : i32
    %add3A_93 = arith.addi %arg1, %add3A_92 : i32
    %lt3A_94 = arith.constant 25 : i32
    %lt3A_95 = arith.cmpi slt, %add3A_93, %lt3A_94 : i32
    %eq3A_96 = arith.constant 0 : i32
    %eq3A_97 = arith.cmpi eq, %arg0, %eq3A_96 : i32
    %and3A_98 = arith.andi %lt3A_95, %eq3A_97 : i1
    %convert_element_type3A_99 = arith.extui %and3A_98 : i1 to i32
    %cond3A_100 = arith.constant 0 : i32
    %cond3A_101 = arith.cmpi ne, %convert_element_type3A_99, %cond3A_100 : i32
    scf.if %cond3A_101 {
      %mul3A_110 = arith.constant 400 : i32
      %mul3A_111 = arith.muli %add3A_93, %mul3A_110 : i32
      %multiple_of3A_112 = tpu.assume_multiple %mul3A_111, 400 : i32
      "tpu.region"() ({
        %run_scoped3A_113 = tpu.sem_alloc : memref<!tpu.dma_semaphore, #tpu.memory_space<semaphore_mem>>
        %dma_start3A_114 = arith.constant 0 : i32
        %dma_start3A_115 = tpu.memref_slice %arg4[%multiple_of3A_112, %dma_start3A_114] : memref<10000x128xf32, #tpu.memory_space<hbm>> -> memref<400x128xf32, #tpu.memory_space<hbm>>
        %dma_start3A_116 = arith.constant 0 : i32
        %dma_start3A_117 = tpu.memref_slice %arg10[%multiple_of3A_112, %dma_start3A_116] : memref<10000x128xf32, #tpu.memory_space<vmem_shared>> -> memref<400x128xf32, #tpu.memory_space<vmem_shared>>
        tpu.enqueue_dma source(%dma_start3A_117 : memref<400x128xf32, #tpu.memory_space<vmem_shared>>) target(%dma_start3A_115 : memref<400x128xf32, #tpu.memory_space<hbm>>) target_semaphore(%run_scoped3A_113 : memref<!tpu.dma_semaphore, #tpu.memory_space<semaphore_mem>>)
        %dma_wait3A = arith.constant 0 : i32
        %dma_wait3A_118 = tpu.memref_slice %arg4[%multiple_of3A_112, %dma_wait3A] : memref<10000x128xf32, #tpu.memory_space<hbm>> -> memref<400x128xf32, #tpu.memory_space<hbm>>
        %dma_wait3A_119 = arith.constant 0 : i32
        %dma_wait3A_120 = tpu.memref_slice %arg10[%multiple_of3A_112, %dma_wait3A_119] : memref<10000x128xf32, #tpu.memory_space<vmem_shared>> -> memref<400x128xf32, #tpu.memory_space<vmem_shared>>
        tpu.wait_dma2 semaphore(%run_scoped3A_113 : memref<!tpu.dma_semaphore, #tpu.memory_space<semaphore_mem>>) src(%dma_wait3A_120 : memref<400x128xf32, #tpu.memory_space<vmem_shared>>) dst(%dma_wait3A_118 : memref<400x128xf32, #tpu.memory_space<hbm>>)
        tpu.yield
      }) : () -> ()
    } else {
    }
    %lt3A_102 = arith.constant 25 : i32
    %lt3A_103 = arith.cmpi slt, %add3A_93, %lt3A_102 : i32
    %eq3A_104 = arith.constant 1 : i32
    %eq3A_105 = arith.cmpi eq, %arg0, %eq3A_104 : i32
    %and3A_106 = arith.andi %lt3A_103, %eq3A_105 : i1
    %convert_element_type3A_107 = arith.extui %and3A_106 : i1 to i32
    %cond3A_108 = arith.constant 0 : i32
    %cond3A_109 = arith.cmpi ne, %convert_element_type3A_107, %cond3A_108 : i32
    scf.if %cond3A_109 {
      %mul3A_110 = arith.constant 400 : i32
      %mul3A_111 = arith.muli %add3A_93, %mul3A_110 : i32
      %multiple_of3A_112 = tpu.assume_multiple %mul3A_111, 400 : i32
      "tpu.region"() ({
        %run_scoped3A_113 = tpu.sem_alloc : memref<!tpu.dma_semaphore, #tpu.memory_space<semaphore_mem>>
        %dma_start3A_114 = arith.constant 0 : i32
        %dma_start3A_115 = tpu.memref_slice %arg5[%multiple_of3A_112, %dma_start3A_114] : memref<10000x128xf32, #tpu.memory_space<hbm>> -> memref<400x128xf32, #tpu.memory_space<hbm>>
        %dma_start3A_116 = arith.constant 0 : i32
        %dma_start3A_117 = tpu.memref_slice %arg10[%multiple_of3A_112, %dma_start3A_116] : memref<10000x128xf32, #tpu.memory_space<vmem_shared>> -> memref<400x128xf32, #tpu.memory_space<vmem_shared>>
        tpu.enqueue_dma source(%dma_start3A_117 : memref<400x128xf32, #tpu.memory_space<vmem_shared>>) target(%dma_start3A_115 : memref<400x128xf32, #tpu.memory_space<hbm>>) target_semaphore(%run_scoped3A_113 : memref<!tpu.dma_semaphore, #tpu.memory_space<semaphore_mem>>)
        %dma_wait3A = arith.constant 0 : i32
        %dma_wait3A_118 = tpu.memref_slice %arg5[%multiple_of3A_112, %dma_wait3A] : memref<10000x128xf32, #tpu.memory_space<hbm>> -> memref<400x128xf32, #tpu.memory_space<hbm>>
        %dma_wait3A_119 = arith.constant 0 : i32
        %dma_wait3A_120 = tpu.memref_slice %arg10[%multiple_of3A_112, %dma_wait3A_119] : memref<10000x128xf32, #tpu.memory_space<vmem_shared>> -> memref<400x128xf32, #tpu.memory_space<vmem_shared>>
        tpu.wait_dma2 semaphore(%run_scoped3A_113 : memref<!tpu.dma_semaphore, #tpu.memory_space<semaphore_mem>>) src(%dma_wait3A_120 : memref<400x128xf32, #tpu.memory_space<vmem_shared>>) dst(%dma_wait3A_118 : memref<400x128xf32, #tpu.memory_space<hbm>>)
        tpu.yield
      }) : () -> ()
    } else {
    }
    return
  }
}

module attributes {stable_mosaic.version = 14 : i64} {
  func.func @_tc_body(%arg0: i32, %arg1: memref<2000x128xf32, #tpu.memory_space<vmem>>, %arg2: memref<2000x128xf32, #tpu.memory_space<vmem>>, %arg3: memref<2000x128xf32, #tpu.memory_space<vmem>>, %arg4: memref<2000x1xi32, #tpu.memory_space<vmem>>, %arg5: memref<1x1xf32, #tpu.memory_space<smem>>, %arg6: memref<128x128xf32, #tpu.memory_space<vmem>>, %arg7: memref<1x128xf32, #tpu.memory_space<vmem>>, %arg8: memref<2000x128xf32, #tpu.memory_space<vmem>>, %arg9: memref<16x128xf32, #tpu.memory_space<vmem>>, %arg10: memref<16x128xf32, #tpu.memory_space<vmem>>, %arg11: memref<16x128xf32, #tpu.memory_space<vmem>>) attributes {dimension_semantics = [#tpu.dimension_semantics<arbitrary>], iteration_bounds = array<i64: 5>, scalar_prefetch = 0 : i64, scratch_operands = 2 : i64, tpu.core_type = #tpu.core_type<tc>, window_params = [{transform_indices = @transform_0, window_bounds = array<i64: 2000, 128>}, {transform_indices = @transform_1, window_bounds = array<i64: 2000, 128>}, {transform_indices = @transform_2, window_bounds = array<i64: 2000, 128>}, {transform_indices = @transform_3, window_bounds = array<i64: 2000, 1>}, {transform_indices = @transform_4, window_bounds = array<i64: 1, 1>}, {pipeline_mode = #tpu.pipeline_mode<synchronous>, transform_indices = @transform_5, window_bounds = array<i64: 128, 128>}, {pipeline_mode = #tpu.pipeline_mode<synchronous>, transform_indices = @transform_6, window_bounds = array<i64: 1, 128>}, {transform_indices = @transform_7, window_bounds = array<i64: 2000, 128>}, {pipeline_mode = #tpu.pipeline_mode<synchronous>, transform_indices = @transform_8, window_bounds = array<i64: 16, 128>}]} {
    %get3A = arith.constant 0 : index
    %get3A_0 = arith.constant 0 : index
    %get3A_1 = memref.load %arg5[%get3A, %get3A_0] : memref<1x1xf32, #tpu.memory_space<smem>>
    %sub3A = arith.constant 1.000000e+00 : f32
    %sub3A_2 = arith.subf %get3A_1, %sub3A : f32
    %get3A_3 = arith.constant 0 : index
    %get3A_4 = arith.constant 0 : index
    %get3A_5 = vector.load %arg1[%get3A_3, %get3A_4] : memref<2000x128xf32, #tpu.memory_space<vmem>>, vector<2000x128xf32>
    %mul3A = vector.broadcast %sub3A_2 : f32 to vector<2000x128xf32>
    %mul3A_6 = arith.mulf %mul3A, %get3A_5 : vector<2000x128xf32>
    %get3A_7 = arith.constant 0 : index
    %get3A_8 = arith.constant 0 : index
    %get3A_9 = vector.load %arg2[%get3A_7, %get3A_8] : memref<2000x128xf32, #tpu.memory_space<vmem>>, vector<2000x128xf32>
    %add3A = arith.addf %mul3A_6, %get3A_9 : vector<2000x128xf32>
    %get3A_10 = arith.constant 0 : index
    %get3A_11 = arith.constant 0 : index
    %get3A_12 = vector.load %arg3[%get3A_10, %get3A_11] : memref<2000x128xf32, #tpu.memory_space<vmem>>, vector<2000x128xf32>
    %add3A_13 = arith.addf %add3A, %get3A_12 : vector<2000x128xf32>
    %max3A = arith.constant 0.000000e+00 : f32
    %max3A_14 = vector.broadcast %max3A : f32 to vector<2000x128xf32>
    %max3A_15 = arith.maximumf %add3A_13, %max3A_14 : vector<2000x128xf32>
    %swap3A = arith.constant 0 : index
    %swap3A_16 = arith.constant 0 : index
    %swap3A_17 = vector.load %arg8[%swap3A, %swap3A_16] : memref<2000x128xf32, #tpu.memory_space<vmem>>, vector<2000x128xf32>
    tpu.vector_store %arg8[%swap3A, %swap3A_16], %max3A_15 {strides = array<i32>} : memref<2000x128xf32, #tpu.memory_space<vmem>>, vector<2000x128xf32>,
    %get3A_18 = arith.constant 0 : index
    %get3A_19 = arith.constant 0 : index
    %get3A_20 = vector.load %arg4[%get3A_18, %get3A_19] : memref<2000x1xi32, #tpu.memory_space<vmem>>, vector<2000x1xi32>
    %iota3A = tpu.iota {dimensions = array<i32: 1>} : vector<2000x16xi32>
    %eq3A = vector.broadcast %get3A_20 : vector<2000x1xi32> to vector<2000x16xi32>
    %eq3A_21 = arith.cmpi eq, %eq3A, %iota3A : vector<2000x16xi32>
    %convert_element_type3A = arith.extui %eq3A_21 : vector<2000x16xi1> to vector<2000x16xi32>
    %convert_element_type3A_22 = arith.sitofp %convert_element_type3A : vector<2000x16xi32> to vector<2000x16xf32>
    %dot_general3A = arith.constant dense<0.000000e+00> : vector<16x128xf32>
    %dot_general3A_23 = tpu.matmul %convert_element_type3A_22, %max3A_15, %dot_general3A {dimension_numbers = #tpu.dot_dimension_numbers<[0], [0], [1], [1], [0, 1, 1, 1], [], []>, transpose_lhs_hint = false} : vector<2000x16xf32>, vector<2000x128xf32>, vector<16x128xf32> -> vector<16x128xf32>
    %get3A_24 = arith.constant 0 : index
    %get3A_25 = arith.constant 0 : index
    %get3A_26 = vector.load %arg7[%get3A_24, %get3A_25] : memref<1x128xf32, #tpu.memory_space<vmem>>, vector<1x128xf32>
    %broadcast_in_dim3A = vector.shape_cast %get3A_26 : vector<1x128xf32> to vector<1x128xf32>
    %broadcast_in_dim3A_27 = vector.broadcast %broadcast_in_dim3A : vector<1x128xf32> to vector<2000x128xf32>
    %dot_general3A_28 = arith.constant dense<0.000000e+00> : vector<16x128xf32>
    %dot_general3A_29 = tpu.matmul %convert_element_type3A_22, %broadcast_in_dim3A_27, %dot_general3A_28 {dimension_numbers = #tpu.dot_dimension_numbers<[0], [0], [1], [1], [0, 1, 1, 1], [], []>, transpose_lhs_hint = false} : vector<2000x16xf32>, vector<2000x128xf32>, vector<16x128xf32> -> vector<16x128xf32>
    %eq3A_30 = arith.constant 0 : i32
    %eq3A_31 = arith.cmpi eq, %arg0, %eq3A_30 : i32
    %convert_element_type3A_32 = arith.extui %eq3A_31 : i1 to i32
    %cond3A = arith.constant 0 : i32
    %cond3A_33 = arith.cmpi ne, %convert_element_type3A_32, %cond3A : i32
    scf.if %cond3A_33 {
      %broadcast_in_dim3A_53 = arith.constant 0.000000e+00 : f32
      %broadcast_in_dim3A_54 = vector.broadcast %broadcast_in_dim3A_53 : f32 to vector<16x128xf32>
      %swap3A_55 = arith.constant 0 : index
      %swap3A_56 = arith.constant 0 : index
      %swap3A_57 = vector.load %arg10[%swap3A_55, %swap3A_56] : memref<16x128xf32, #tpu.memory_space<vmem>>, vector<16x128xf32>
      tpu.vector_store %arg10[%swap3A_55, %swap3A_56], %broadcast_in_dim3A_54 {strides = array<i32>} : memref<16x128xf32, #tpu.memory_space<vmem>>, vector<16x128xf32>,
      %broadcast_in_dim3A_58 = arith.constant 0.000000e+00 : f32
      %broadcast_in_dim3A_59 = vector.broadcast %broadcast_in_dim3A_58 : f32 to vector<16x128xf32>
      %swap3A_60 = arith.constant 0 : index
      %swap3A_61 = arith.constant 0 : index
      %swap3A_62 = vector.load %arg11[%swap3A_60, %swap3A_61] : memref<16x128xf32, #tpu.memory_space<vmem>>, vector<16x128xf32>
      tpu.vector_store %arg11[%swap3A_60, %swap3A_61], %broadcast_in_dim3A_59 {strides = array<i32>} : memref<16x128xf32, #tpu.memory_space<vmem>>, vector<16x128xf32>,
    } else {
    }
    %get3A_34 = arith.constant 0 : index
    %get3A_35 = arith.constant 0 : index
    %get3A_36 = vector.load %arg10[%get3A_34, %get3A_35] : memref<16x128xf32, #tpu.memory_space<vmem>>, vector<16x128xf32>
    %add3A_37 = arith.addf %get3A_36, %dot_general3A_23 : vector<16x128xf32>
    %swap3A_38 = arith.constant 0 : index
    %swap3A_39 = arith.constant 0 : index
    %swap3A_40 = vector.load %arg10[%swap3A_38, %swap3A_39] : memref<16x128xf32, #tpu.memory_space<vmem>>, vector<16x128xf32>
    tpu.vector_store %arg10[%swap3A_38, %swap3A_39], %add3A_37 {strides = array<i32>} : memref<16x128xf32, #tpu.memory_space<vmem>>, vector<16x128xf32>,
    %get3A_41 = arith.constant 0 : index
    %get3A_42 = arith.constant 0 : index
    %get3A_43 = vector.load %arg11[%get3A_41, %get3A_42] : memref<16x128xf32, #tpu.memory_space<vmem>>, vector<16x128xf32>
    %add3A_44 = arith.addf %get3A_43, %dot_general3A_29 : vector<16x128xf32>
    %swap3A_45 = arith.constant 0 : index
    %swap3A_46 = arith.constant 0 : index
    %swap3A_47 = vector.load %arg11[%swap3A_45, %swap3A_46] : memref<16x128xf32, #tpu.memory_space<vmem>>, vector<16x128xf32>
    tpu.vector_store %arg11[%swap3A_45, %swap3A_46], %add3A_44 {strides = array<i32>} : memref<16x128xf32, #tpu.memory_space<vmem>>, vector<16x128xf32>,
    %eq3A_48 = arith.constant 4 : i32
    %eq3A_49 = arith.cmpi eq, %arg0, %eq3A_48 : i32
    %convert_element_type3A_50 = arith.extui %eq3A_49 : i1 to i32
    %cond3A_51 = arith.constant 0 : i32
    %cond3A_52 = arith.cmpi ne, %convert_element_type3A_50, %cond3A_51 : i32
    scf.if %cond3A_52 {
      %get3A_53 = arith.constant 0 : index
      %get3A_54 = arith.constant 0 : index
      %get3A_55 = vector.load %arg10[%get3A_53, %get3A_54] : memref<16x128xf32, #tpu.memory_space<vmem>>, vector<16x128xf32>
      %get3A_56 = arith.constant 0 : index
      %get3A_57 = arith.constant 0 : index
      %get3A_58 = vector.load %arg6[%get3A_56, %get3A_57] : memref<128x128xf32, #tpu.memory_space<vmem>>, vector<128x128xf32>
      %dot_general3A_59 = arith.constant dense<0.000000e+00> : vector<16x128xf32>
      %dot_general3A_60 = tpu.matmul %get3A_55, %get3A_58, %dot_general3A_59 {dimension_numbers = #tpu.dot_dimension_numbers<[1], [1], [0], [0], [0, 0, 1, 0], [], []>, transpose_lhs_hint = false} : vector<16x128xf32>, vector<128x128xf32>, vector<16x128xf32> -> vector<16x128xf32>
      %get3A_61 = arith.constant 0 : index
      %get3A_62 = arith.constant 0 : index
      %get3A_63 = vector.load %arg11[%get3A_61, %get3A_62] : memref<16x128xf32, #tpu.memory_space<vmem>>, vector<16x128xf32>
      %add3A_64 = arith.addf %dot_general3A_60, %get3A_63 : vector<16x128xf32>
      %swap3A_65 = arith.constant 0 : index
      %swap3A_66 = arith.constant 0 : index
      %swap3A_67 = vector.load %arg9[%swap3A_65, %swap3A_66] : memref<16x128xf32, #tpu.memory_space<vmem>>, vector<16x128xf32>
      tpu.vector_store %arg9[%swap3A_65, %swap3A_66], %add3A_64 {strides = array<i32>} : memref<16x128xf32, #tpu.memory_space<vmem>>, vector<16x128xf32>,
    } else {
    }
    return
  }
  func.func @transform_0(%arg0: i32) -> (i32, i32) {
    %c0_i32 = arith.constant 0 : i32
    %c0_i32_0 = arith.constant 0 : i32
    return %arg0, %c0_i32 : i32, i32
  }
  func.func @transform_1(%arg0: i32) -> (i32, i32) {
    %c0_i32 = arith.constant 0 : i32
    %c0_i32_0 = arith.constant 0 : i32
    return %arg0, %c0_i32 : i32, i32
  }
  func.func @transform_2(%arg0: i32) -> (i32, i32) {
    %c0_i32 = arith.constant 0 : i32
    %c0_i32_0 = arith.constant 0 : i32
    return %arg0, %c0_i32 : i32, i32
  }
  func.func @transform_3(%arg0: i32) -> (i32, i32) {
    %c0_i32 = arith.constant 0 : i32
    %c0_i32_0 = arith.constant 0 : i32
    return %arg0, %c0_i32 : i32, i32
  }
  func.func @transform_4(%arg0: i32) -> (i32, i32) {
    %c0_i32 = arith.constant 0 : i32
    %c0_i32_0 = arith.constant 0 : i32
    %c0_i32_1 = arith.constant 0 : i32
    return %c0_i32, %c0_i32_0 : i32, i32
  }
  func.func @transform_5(%arg0: i32) -> (i32, i32) {
    %c0_i32 = arith.constant 0 : i32
    %c0_i32_0 = arith.constant 0 : i32
    %c0_i32_1 = arith.constant 0 : i32
    return %c0_i32, %c0_i32_0 : i32, i32
  }
  func.func @transform_6(%arg0: i32) -> (i32, i32) {
    %c0_i32 = arith.constant 0 : i32
    %c0_i32_0 = arith.constant 0 : i32
    %c0_i32_1 = arith.constant 0 : i32
    return %c0_i32, %c0_i32_0 : i32, i32
  }
  func.func @transform_7(%arg0: i32) -> (i32, i32) {
    %c0_i32 = arith.constant 0 : i32
    %c0_i32_0 = arith.constant 0 : i32
    return %arg0, %c0_i32 : i32, i32
  }
  func.func @transform_8(%arg0: i32) -> (i32, i32) {
    %c0_i32 = arith.constant 0 : i32
    %c0_i32_0 = arith.constant 0 : i32
    %c0_i32_1 = arith.constant 0 : i32
    return %c0_i32, %c0_i32_0 : i32, i32
  }
}

</mosaic_0001>

<sc_bundles>
// kernel: kernel.4.cloned.1.call-start
scs
__scs_entry_jumppad:
0x0: {  	(pc) =	sbr.rel $0x88, $3  }
0x1: {  	(tag) =	ssettag $0x0;
	lr =	simm.s32 $0x1  }
0x2: {  	[smem:$0x3F9B] =	sst lr;
	_ =	strace $0xD0000000  }
0x3: {  	_ = 	snop  }
0x4: {  	_ = 	snop  }
0x5: {  	_ = 	snop  }
0x6: {  	_ = 	snop  }
0x7: {  	_ = 	snop  }
__scs_overlays_trampoline_lowered:
0x8: {  	[smem:$0x3FAA] =	sst s0  }
0x9: {  	[smem:$0x3FAB] =	sst s1  }
0xa: {  	[smem:$0x3FAC] =	sst s2  }
0xb: {  	[smem:$0x3FAD] =	sst s3  }
0xc: {  	[smem:$0x3FAE] =	sst s4  }
0xd: {  	[smem:$0x3FAF] =	sst s5  }
0xe: {  	[smem:$0x3FB0] =	sst s6  }
0xf: {  	[smem:$0x3FB1] =	sst s7  }
0x10: {  	[smem:$0x3FB2] =	sst s8  }
0x11: {  	[smem:$0x3FB3] =	sst s9;
	s0 =	simm.s32 @!p0 $0x0  }
0x12: {  	s1 =	sld [smem:$0x3F99];
	s0 =	simm.s32 @p0 $0x1  }
0x13: {  	[smem:$0x3FB4] =	sst s0;
	s0 =	simm.s32 @!p1 $0x0  }
0x14: {  	s2 =	sld [smem:$0x3F98];
	s0 =	simm.s32 @p1 $0x1  }
0x15: {  	[smem:$0x3FB5] =	sst s0;
	s0 =	simm.s32 @!p2 $0x0  }
0x16: {  	s3 =	sld [smem:$0x3FDB];
	s0 =	simm.s32 @p2 $0x1  }
0x17: {  	s4 =	simm.s32 $0x1BF5;
	[smem:$0x3FB7] =	sst s0  }
0x18: {  	s0 =	sld [smem:$0x3F9A];
	_ =	swait.ge [sflag:s4], $0x0  }
0x19: {  	s7 =	sld [smem:$0x3F9B]  }
0x1a: {  	s8 =	sadd.s32 $0xFFFFE003, lr  }
0x1b: {  	s9 =	sadd.s32 $0xFFFFFEF7, lr;
	s5 =	simm.s32 $0xFFFFFFFF;
	p2 =	slt.u32 s8, $0xFFFFF086  }
0x1c: {  	p1 =	slt.u32 s9, $0xF7A;
	s5 =	simm.s32 @!p2 $0x0  }
0x1d: {  	s5 =	simm.s32 @p1 $0x1;
	p0 =	seq.s32 s7, s2  }
0x1e: {  	s7 =	smul.u32 @!p0 $0xF7A, s2;
	p2 =	seq.s32 @!p0 s5, $0x0  }
0x1f: {  	s9 =	smul.u32 $0xF7A, s1;
	s8 =	simm.s32 @!p0 $0x1BF5;
	p2 =	por !p2, p0  }
0x20: {  	[sflag:s8] =	ssyncset.s32 @!p0 $0xFFFFF086;
	s6 =	sadd.s32 @!p0 s3, s7;
	s7 =	simm.s32 @!p0 $0x108  }
0x21: {  	s3 =	sadd.s32 s3, s9;
	s6 =	sadd.s32 @!p0 $0x88, s6;
	s7 =	simm.s32 @p2 $0x1082  }
0x22: {  	[simem:s7], [sflag:s8] =	dma.local @!p0 [hbm:s6], $0xF7A  }
0x23: {  	s9 =	sor.u32 $0xD0000000, s2;
	s6 =	simm.s32 $0x108;
	_ =	swait.ge @!p0 [sflag:s8], $0x0  }
0x24: {  	s3 =	sadd.s32 $0x88, s3;
	s6 =	simm.s32 @!p1 $0x1082;
	[sflag:s4] =	ssyncset.s32 $0xFFFFF086  }
0x25: {  	[simem:s6], [sflag:s4] =	dma.local [hbm:s3], $0xF7A  }
0x26: {  	[smem:$0x3F9B] =	sst s1;
	(tag) =	ssettag s2;
	_ =	strace s9  }
0x27: {  	s1 =	sld [smem:$0x3FAB]  }
0x28: {  	s2 =	sld [smem:$0x3FAC]  }
0x29: {  	s4 =	sld [smem:$0x3FAE]  }
0x2a: {  	p0 =	seq.s32 s5, $0x0;
	s5 =	sld [smem:$0x3FAF]  }
0x2b: {  	s6 =	sld [smem:$0x3FB0]  }
0x2c: {  	s7 =	sld [smem:$0x3FB1]  }
0x2d: {  	s3 =	simm.s32 $0x108;
	s8 =	sld [smem:$0x3FB2]  }
0x2e: {  	s3 =	simm.s32 @!p0 $0x1082;
	s9 =	sld [smem:$0x3FB3]  }
0x2f: {  	lr =	sadd.s32 s0, s3;
	s0 =	sld [smem:$0x3FAA]  }
0x30: {  	s3 =	sld [smem:$0x3FAD]  }
0x31: {  	[smem:$0x3FB6] =	sst s10  }
0x32: {  	s10 =	sld [smem:$0x3FB4];
	_ =	sdelay $0x3  }
0x33: {  	p0 =	seq.s32 s10, $0x1;
	s10 =	sld [smem:$0x3FB6];
	_ =	sdelay $0x3  }
0x34: {  	[smem:$0x3FB6] =	sst s10  }
0x35: {  	s10 =	sld [smem:$0x3FB5];
	_ =	sdelay $0x3  }
0x36: {  	p1 =	seq.s32 s10, $0x1;
	s10 =	sld [smem:$0x3FB6];
	_ =	sdelay $0x3  }
0x37: {  	[smem:$0x3FB6] =	sst s10  }
0x38: {  	s10 =	sld [smem:$0x3FB7]  }
0x39: {  	_ = 	snop;
	(pc) =	sbr.ind lr, $3  }
0x3a: {  	_ = 	snop  }
0x3b: {  	_ = 	snop  }
0x3c: {  	p2 =	seq.s32 s10, $0x1;
	s10 =	sld [smem:$0x3FB6]  }
0x3d: {  	_ =	shalt  }
0x3e: {  	_ =	shalt  }
0x3f: {  	_ =	shalt  }
0x40: {  	_ =	shalt  }
0x41: {  	_ =	shalt  }
0x42: {  	_ =	shalt  }
0x43: {  	_ =	shalt  }
0x44: {  	_ =	shalt  }
0x45: {  	_ =	shalt  }
0x46: {  	_ =	shalt  }
0x47: {  	_ =	shalt  }
0x48: {  	_ =	shalt  }
0x49: {  	_ =	shalt  }
0x4a: {  	_ =	shalt  }
0x4b: {  	_ =	shalt  }
0x4c: {  	_ =	shalt  }
0x4d: {  	_ =	shalt  }
0x4e: {  	_ =	shalt  }
0x4f: {  	_ =	shalt  }
0x50: {  	_ =	shalt  }
0x51: {  	_ =	shalt  }
0x52: {  	_ =	shalt  }
0x53: {  	_ =	shalt  }
0x54: {  	_ =	shalt  }
0x55: {  	_ =	shalt  }
0x56: {  	_ =	shalt  }
0x57: {  	_ =	shalt  }
0x58: {  	_ =	shalt  }
0x59: {  	_ =	shalt  }
0x5a: {  	_ =	shalt  }
0x5b: {  	_ =	shalt  }
0x5c: {  	_ =	shalt  }
0x5d: {  	_ =	shalt  }
0x5e: {  	_ =	shalt  }
0x5f: {  	_ =	shalt  }
0x60: {  	_ =	shalt  }
0x61: {  	_ =	shalt  }
0x62: {  	_ =	shalt  }
0x63: {  	_ =	shalt  }
0x64: {  	_ =	shalt  }
0x65: {  	_ =	shalt  }
0x66: {  	_ =	shalt  }
0x67: {  	_ =	shalt  }
0x68: {  	_ =	shalt  }
0x69: {  	_ =	shalt  }
0x6a: {  	_ =	shalt  }
0x6b: {  	_ =	shalt  }
0x6c: {  	_ =	shalt  }
0x6d: {  	_ =	shalt  }
0x6e: {  	_ =	shalt  }
0x6f: {  	_ =	shalt  }
0x70: {  	_ =	shalt  }
0x71: {  	_ =	shalt  }
0x72: {  	_ =	shalt  }
0x73: {  	_ =	shalt  }
0x74: {  	_ =	shalt  }
0x75: {  	_ =	shalt  }
0x76: {  	_ =	shalt  }
0x77: {  	_ =	shalt  }
0x78: {  	_ =	shalt  }
0x79: {  	_ =	shalt  }
0x7a: {  	_ =	shalt  }
0x7b: {  	_ =	shalt  }
0x7c: {  	_ =	shalt  }
0x7d: {  	_ =	shalt  }
0x7e: {  	_ =	shalt  }
0x7f: {  	_ =	shalt  }
0x80: {  	_ =	shalt  }
0x81: {  	_ =	shalt  }
0x82: {  	_ =	shalt  }
0x83: {  	_ =	shalt  }
0x84: {  	_ =	shalt  }
0x85: {  	_ =	shalt  }
0x86: {  	_ =	shalt  }
0x87: {  	_ =	shalt  }
.Lfunc_end0:
.L_simem_size_0:
called_computation_lowered:
.L_overlay_start_0:
0x88: {  	s2 =	sld [smem:$0x3FD9]  }
0x89: {  	s3 =	sld [smem:$0x3FFE];
	_ =	sdelay $0x1  }
0x8a: {  	s1 =	srdreg.scid  }
0x8b: {  	s0 =	sand.u32 $0x1, s1  }
0x8c: {  	s14 =	sshll.u32 s0, $0xA;
	s2 =	sadd.s32 s3, s2  }
0x8d: {  	s2 =	sadd.s32 s2, s14  }
0x8e: {  	[smem:$0x3FC2] =	sst s2  }
0x8f: {  	_ = 	snop  }
0x90: {  	s2 =	sld [smem:$0x3FD0];
	_ =	sdelay $0x2  }
0x91: {  	s4 =	simm.s32 $0xA;
	s5 =	simm.s32 $0x10;
	s15 =	sld [smem:$0x3FC9]  }
0x92: {  	[smem:s5], [sflag:s4] =	dma.local [hbm:s2], $0x1  }
0x93: {  	_ =	swait.eq [sflag:s4], $0x1  }
0x94: {  	[sflag:s4] =	ssyncset.done $0x0  }
0x95: {  	[sflag:s4] =	ssyncadd.s32 $0xFFFFFFFF  }
0x96: {  	s16 =	sld [smem:$0x10];
	(tm) =	ssettm $0x1  }
0x97: {  	s17 =	sld [smem:$0x3FFB];
	_ =	sdelay $0x3  }
0x98: {  	_ =	strace s17  }
0x99: {  	s4 =	sld [smem:$0x3FFC];
	_ =	sdelay $0x3  }
0x9a: {  	_ =	strace s4  }
0x9b: {  	s4 =	sld [smem:$0x3FFD];
	_ =	sdelay $0x3  }
0x9c: {  	_ =	strace s4  }
0x9d: {  	_ =	strace $0x8FFFFFFF  }
0x9e: {  	s18 =	sld [smem:$0x3FDB];
	_ =	sdelay $0x1  }
0x9f: {  	s19 =	simm.s32 $_scs_section_size  }
0xa0: {  	s6 =	simm.s32 $_size__tile_overlayer_lowered;
	s7 =	simm.s32 $_tile_overlayer_lowered  }
0xa1: {  	s22 =	simm.s32 $0x1BFF;
	s21 =	sshll.u32 s7, $0x1;
	s4 =	sadd.s32 s19, s18  }
0xa2: {  	s8 =	simm.s32 $0x0;
	s20 =	sshll.u32 s6, $0x1;
	s6 =	sadd.s32 s21, s4  }
0xa3: {  	[timem:s8], [sflag:s22] =	dma.local [hbm:s6], s20  }
0xa4: {  	_ =	swait.ge [sflag:s22], s20  }
0xa5: {  	s5 =	ssub.s32 $0x0, s20;
	[sflag:s22] =	ssyncset.done $0x0  }
0xa6: {  	[sflag:s22] =	ssyncadd.s32 s5;
	_ =	sdelay $0x1  }
0xa7: {  	s23 =	simm.s32 $0x1B8B  }
0xa8: {  	_ =	swait.ge [sflag:s23], $0x1  }
0xa9: {  	[sflag:s23] =	ssyncset.done $0x0  }
0xaa: {  	s25 =	simm.s32 $0x1B8E;
	s24 =	sld [smem:$0x3FFE];
	[sflag:s23] =	ssyncadd.s32 $0xFFFFFFFF  }
0xab: {  	s26 =	simm.s32 $execute0_lowered;
	[smem:$0x3FD2] =	sst s25  }
0xac: {  	s6 =	sshll.u32 s26, $0x1;
	_ =	strace $0x80000046;
	[dreg:$0x1] =	wrdreg $0xFFFFFFFF  }
0xad: {  	s28 =	simm.s32 $_size_execute0_lowered;
	s4 =	sadd.s32 s4, s6;
	[dreg:$0x0] =	wrdreg $0x0  }
0xae: {  	s6 =	sshll.u32 s28, $0x1;
	[dreg:$0x2] =	wrdreg s4  }
0xaf: {  	[dreg:$0x3] =	wrdreg s6  }
0xb0: {  	[dreg:$0x4] =	wrdreg $0xC0  }
0xb1: {  	_ =	task [dreg:s8], $0x5FFFF  }
0xb2: {  	[dreg:$0x1] =	wrdreg $0xFFFFFFFF  }
0xb3: {  	[dreg:$0x0] =	wrdreg $0x60  }
0xb4: {  	[dreg:$0x2] =	wrdreg s15  }
0xb5: {  	[dreg:$0x3] =	wrdreg s24  }
0xb6: {  	[dreg:$0x4] =	wrdreg s16  }
0xb7: {  	[dreg:$0x5] =	wrdreg $0xA8000  }
0xb8: {  	[dreg:$0x6] =	wrdreg $0x9  }
0xb9: {  	_ =	task.clear_ibuf [dreg:s8], $0x7FFFF;
	_ =	strace $0x90000046  }
0xba: {  	s29 =	simm.s32 $0x9;
	_ =	strace $0x80000048  }
0xbb: {  	_ =	swait.ge [sflag:s29], $0x1  }
0xbc: {  	[sflag:s29] =	ssyncadd.s32 $0xFFFFFFFF  }
0xbd: {  	_ =	strace $0x90000048  }
0xbe: {  	_ =	sfence  }
0xbf: {  	s30 =	sld [smem:$0x0];
	_ =	sdelay $0x2  }
0xc0: {  	s31 =	sshll.u32 s1, $0xD;
	s1 =	sshrl.u32 s1, $0x2  }
0xc1: {  	s3 =	sand.u32 $0x4000, s31;
	s1 =	sadd.s32 s1, s30  }
0xc2: {  	s0 =	sor.u32 s3, s0;
	s1 =	sshll.u32 s1, $0x11  }
0xc3: {  	s0 =	sor.u32 s1, s0  }
0xc4: {  	s0 =	sadd.s32 $0x8F2B, s0  }
0xc5: {  	[sflag:s0] =	ssyncadd.remote.s32 $0x1  }
0xc6: {  	_ =	sfence.sel $0xFFFF  }
0xc7: {  	[dreg:$0x0] =	wrdreg $0xFFFFFFFF;
	(pc) =	sbr.abs _section_cstart, $3  }
0xc8: {  	[dreg:$0x1] =	wrdreg $0xFFFFFFFF  }
0xc9: {  	_ =	task.clear_ibuf [dreg:s8], $0x2FFFF;
	_ =	strace $0x9FFFFFFF  }
0xca: {  	(tm) =	ssettm $0x7FFFFFFF  }
0xcb: {  	_ =	shalt  }
tec
execute0_lowered:
.L_overlay_start_1:
0x0: {  	(tag) =	ssettag $0x1  }
0x1: {  	s1 =	rddreg [dreg:$0x0]  }
0x2: {  	s0 =	rddreg [dreg:$0x1]  }
0x3: {  	s6 =	rddreg [dreg:$0x2]  }
0x4: {  	s2 =	rddreg [dreg:$0x3];
	s4 =	simm.s32 $0x0;
	s5 =	srdreg.scid  }
0x5: {  	s3 =	stileid.u32;
	s28 =	simm.s32 $0x3;
	s29 =	simm.s32 $0x1  }
0x6: {  	s30 =	simm.s32 $0x2;
	s31 =	simm.s32 $0x2700;
	[smem:$0x7FF] =	sst s4  }
0x7: {  	s10 =	sand.u32 $0x1, s5;
	s19 =	smul.u32 $0x32000, s3;
	s11 =	sadd.s32 $0x1A00, s0  }
0x8: {  	s18 =	sadd.s32 $0x15A00, s0;
	s16 =	smul.u32 $0x1900, s3;
	s20 =	sor.u32 $0x10, s3  }
0x9: {  	s12 =	sshll.u32 s3, $0x6;
	p2 =	slt.u32 s3, $0x9;
	p3 =	sgt.u32 s3, $0x8  }
0xa: {  	_ =	strace $0x80000047;
	s7 =	ssub.s32 $0x2, s10;
	s22 =	smul.u32 $0x32000, s20  }
0xb: {  	s9 =	sshll.u32 s10, $0x4;
	s20 =	smul.u32 $0x1900, s20;
	p1 =	seq.s32 s10, $0x0  }
0xc: {  	p0 =	seq.s32 s10, $0x1;
	p4 =	sne.s32 s10, $0x0;
	s8 =	sshrl.u32 s7, $0x1  }
0xd: {  	s5 =	sshrl.u32 s19, $0x2;
	s21 =	sadd.s32 s1, s16;
	s9 =	sor.u32 s3, s9  }
0xe: {  	s15 =	sadd.s32 s6, s16;
	s16 =	sadd.s32 s18, s16;
	p1 =	por !p2, !p1  }
0xf: {  	p2 =	por !p2, !p0;
	s19 =	ssub.s32 s7, s8;
	s5 =	sadd.s32 s5, s2  }
0x10: {  	[dreg:$0x5] =	wrdreg s21;
	s7 =	sor.u32 $0x1C03, s12;
	s23 =	sshrl.u32 s22, $0x2  }
0x11: {  	s8 =	smul.u32 $0x500, s9;
	s24 =	sadd.s32 s1, s20;
	s12 =	sadd.s32 $0xBA00, s0  }
0x12: {  	p1 =	por !p1, !p1;
	s17 =	sadd.s32 s6, s20;
	p2 =	por !p2, !p2  }
0x13: {  	s18 =	sadd.s32 s18, s20;
	s21 =	simm.s32 $0x4;
	s22 =	simm.s32 $0x1400  }
0x14: {  	s0 =	simm.s32 $0x2780;
	s6 =	simm.s32 $0x0;
	s9 =	sadd.s32 s23, s2  }
0x15: {  	[dreg:$0x6] =	wrdreg s24;
	s19 =	smax.u32 s19, $0x1;
	s20 =	sshrl.u32 s5, $0x3  }
0x16: {  	s23 =	simm.s32 $0x7D;
	s25 =	sadd.s32 s11, s8;
	s13 =	sadd.s32 $0x280, s8  }
0x17: {  	s24 =	simm.s32 $0x2800;
	[dreg:$0x7] =	wrdreg s25;
	s26 =	sadd.s32 s11, s13  }
0x18: {  	s25 =	simm.s32 $0x80;
	[dreg:$0x8] =	wrdreg s26;
	s26 =	simm.s32 $0x6800  }
.LBB2_1:
0x19: {  	s10 =	rddreg [dreg:$0x5]  }
0x1a: {  	[spmem:s20], [sflag:s7] =	dma.local [hbm:s10], $0x1900  }
0x1b: {  	s10 =	sshrl.u32 @!p3 s9, $0x3;
	s11 =	rddreg [dreg:$0x6]  }
0x1c: {  	[spmem:s10], [sflag:s7] =	dma.local @!p3 [hbm:s11], $0x1900  }
0x1d: {  	s10 =	rddreg [dreg:$0x7]  }
0x1e: {  	[tilespmem:s4], [sflag:$0x4] =	stream.linear.gather [hbm4b:s10+s4], $0x1400, $0x38;
	[tilespmem:$0x1E080] =	vst v63  }
0x1f: {  	_ =	swait.ge [sflag:s21], $0x1400  }
0x20: {  	[sflag:s21] =	ssyncset.done $0x0  }
0x21: {  	s11 =	sadd.s32 s8, s12;
	[sflag:s21] =	ssyncadd.s32 $0xFFFFEC00  }
0x22: {  	[tilespmem:s22], [sflag:$0x4] =	stream.linear.gather [hbm4b:s11+s4], $0x1400, $0x38;
	[tilespmem:$0x1E080] =	vst v63  }
0x23: {  	_ =	swait.ge [sflag:s21], $0x1400  }
0x24: {  	[sflag:s21] =	ssyncset.done $0x0  }
0x25: {  	[sflag:s21] =	ssyncadd.s32 $0xFFFFEC00  }
0x26: {  	[tilespmem:s24], [sflag:$0x1] =	stream.indirect.gather [hbm4b:s1+s23], $0x80, s4, s23, $0xb8;
	[tilespmem:$0x1E080] =	vst v63  }
0x27: {  	_ = 	snop  }
0x28: {  	[tilespmem:s26], [sflag:$0x2] =	stream.indirect.gather [hbm4b:s1+s23], $0x80, s25, s23, $0xb8;
	[tilespmem:$0x1E080] =	vst v63  }
0x29: {  	_ =	swait.ge [sflag:s28], $0x1900  }
0x2a: {  	[sflag:s28] =	ssyncset.done $0x0  }
0x2b: {  	s10 =	simm.s32 @!p3 $0x3;
	[sflag:s28] =	ssyncadd.s32 $0xFFFFE700  }
0x2c: {  	_ =	swait.ge @!p3 [sflag:s10], $0x1900  }
0x2d: {  	[sflag:s10] =	ssyncset.done @!p3 $0x0  }
0x2e: {  	[sflag:s10] =	ssyncadd.s32 @!p3 $0xFFFFE700  }
0x2f: {  	[bflag:$0x0] =	sbarrier.arrive $0xFFFF  }
0x30: {  	_ =	swait.ge [sflag:s29], $0x3E80  }
0x31: {  	[sflag:s29] =	ssyncset.done $0x0  }
0x32: {  	s14 =	simm.s32 $0x1400;
	[sflag:s29] =	ssyncadd.s32 $0xFFFFC180  }
0x33: {  	[spmem:s2] =	stream.indirect.scatter.add.f32 [tilespmem:s24], [sflag:$0x4], $0x80, s14, s23, $0xb8;
	[tilespmem:$0x1E080] =	vst v63  }
0x34: {  	_ =	swait.ge [sflag:s21], $0x3E80  }
0x35: {  	[sflag:s21] =	ssyncset.done $0x0  }
0x36: {  	s11 =	simm.s32 $0x100;
	[sflag:s21] =	ssyncadd.s32 $0xFFFFC180  }
0x37: {  	[tilespmem:s24], [sflag:$0x1] =	stream.indirect.gather [hbm4b:s1+s23], $0x80, s11, s23, $0xb8;
	[tilespmem:$0x1E080] =	vst v63  }
0x38: {  	_ =	swait.ge [sflag:s30], $0x3E80  }
0x39: {  	[sflag:s30] =	ssyncset.done $0x0  }
0x3a: {  	s14 =	simm.s32 $0x1480;
	[sflag:s30] =	ssyncadd.s32 $0xFFFFC180  }
0x3b: {  	[spmem:s2] =	stream.indirect.scatter.add.f32 [tilespmem:s26], [sflag:$0x4], $0x80, s14, s23, $0xb8;
	[tilespmem:$0x1E080] =	vst v63  }
0x3c: {  	_ =	swait.ge [sflag:s21], $0x3E80  }
0x3d: {  	[sflag:s21] =	ssyncset.done $0x0  }
0x3e: {  	s10 =	simm.s32 $0x400;
	s11 =	simm.s32 $0x180;
	[sflag:s21] =	ssyncadd.s32 $0xFFFFC180  }
.LBB2_2:
0x3f: {  	[tilespmem:s26], [sflag:$0x2] =	stream.indirect.gather [hbm4b:s1+s23], $0x80, s11, s23, $0xb8;
	[tilespmem:$0x1E080] =	vst v63  }
0x40: {  	s11 =	smov.u32 s10  }
0x41: {  	p5 =	sne.s32 s10, $0x4800;
	s10 =	sadd.s32 $0x400, s10;
	_ =	swait.ge [sflag:s29], $0x3E80  }
0x42: {  	s11 =	sshra.s32 s11, $0x2;
	[sflag:s29] =	ssyncset.done $0x0  }
0x43: {  	s14 =	sadd.s32 $0x1400, s11;
	[sflag:s29] =	ssyncadd.s32 $0xFFFFC180  }
0x44: {  	[spmem:s2] =	stream.indirect.scatter.add.f32 [tilespmem:s24], [sflag:$0x4], $0x80, s14, s23, $0xb8;
	[tilespmem:$0x1E080] =	vst v63  }
0x45: {  	_ =	swait.ge [sflag:s21], $0x3E80  }
0x46: {  	[sflag:s21] =	ssyncset.done $0x0  }
0x47: {  	s14 =	sadd.s32 $0x100, s11;
	[sflag:s21] =	ssyncadd.s32 $0xFFFFC180  }
0x48: {  	[tilespmem:s24], [sflag:$0x1] =	stream.indirect.gather [hbm4b:s1+s23], $0x80, s14, s23, $0xb8;
	[tilespmem:$0x1E080] =	vst v63  }
0x49: {  	_ =	swait.ge [sflag:s30], $0x3E80  }
0x4a: {  	[sflag:s30] =	ssyncset.done $0x0  }
.Ltmp0:
0x4b: {  	s14 =	sadd.s32 $0x1480, s11;
	[sflag:s30] =	ssyncadd.s32 $0xFFFFC180;
	(pc) =	sbr.rel @p5 .LBB2_2-.Ltmp0, $4  }
0x4c: {  	[spmem:s2] =	stream.indirect.scatter.add.f32 [tilespmem:s26], [sflag:$0x4], $0x80, s14, s23, $0xb8;
	[tilespmem:$0x1E080] =	vst v63  }
0x4d: {  	_ =	swait.ge [sflag:s21], $0x3E80  }
0x4e: {  	[sflag:s21] =	ssyncset.done $0x0  }
0x4f: {  	s11 =	sadd.s32 $0x180, s11;
	[sflag:s21] =	ssyncadd.s32 $0xFFFFC180  }
0x50: {  	[tilespmem:s26], [sflag:$0x2] =	stream.indirect.gather [hbm4b:s1+s23], $0x80, s11, s23, $0xb8;
	[tilespmem:$0x1E080] =	vst v63  }
0x51: {  	_ =	swait.ge [sflag:s29], $0x3E80  }
0x52: {  	[sflag:s29] =	ssyncset.done $0x0  }
0x53: {  	[sflag:s29] =	ssyncadd.s32 $0xFFFFC180  }
0x54: {  	[spmem:s2] =	stream.indirect.scatter.add.f32 [tilespmem:s24], [sflag:$0x4], $0x80, s31, s23, $0xb8;
	[tilespmem:$0x1E080] =	vst v63  }
0x55: {  	_ =	swait.ge [sflag:s21], $0x3E80  }
0x56: {  	[sflag:s21] =	ssyncset.done $0x0  }
0x57: {  	[sflag:s21] =	ssyncadd.s32 $0xFFFFC180  }
0x58: {  	_ =	swait.ge [sflag:s30], $0x3E80  }
0x59: {  	[sflag:s30] =	ssyncset.done $0x0  }
0x5a: {  	[sflag:s30] =	ssyncadd.s32 $0xFFFFC180  }
0x5b: {  	[spmem:s2] =	stream.indirect.scatter.add.f32 [tilespmem:s26], [sflag:$0x4], $0x80, s0, s23, $0xb8;
	[tilespmem:$0x1E080] =	vst v63  }
0x5c: {  	_ =	swait.ge [sflag:s21], $0x3E80  }
0x5d: {  	[sflag:s21] =	ssyncset.done $0x0  }
0x5e: {  	s10 =	simm.s32 $0x0;
	s14 =	rddreg [dreg:$0x8];
	[sflag:s21] =	ssyncadd.s32 $0xFFFFC180  }
0x5f: {  	[tilespmem:s10], [sflag:$0x4] =	stream.linear.gather [hbm4b:s14+s10], $0x1400, $0x38;
	[tilespmem:$0x1E080] =	vst v63  }
0x60: {  	_ =	swait.ge [sflag:s21], $0x1400  }
0x61: {  	[sflag:s21] =	ssyncset.done $0x0  }
0x62: {  	s14 =	sadd.s32 s13, s12;
	[sflag:s21] =	ssyncadd.s32 $0xFFFFEC00  }
0x63: {  	[tilespmem:s22], [sflag:$0x4] =	stream.linear.gather [hbm4b:s14+s10], $0x1400, $0x38;
	[tilespmem:$0x1E080] =	vst v63  }
0x64: {  	_ =	swait.ge [sflag:s21], $0x1400  }
0x65: {  	[sflag:s21] =	ssyncset.done $0x0  }
0x66: {  	[sflag:s21] =	ssyncadd.s32 $0xFFFFEC00  }
0x67: {  	[tilespmem:s24], [sflag:$0x1] =	stream.indirect.gather [hbm4b:s1+s23], $0x80, s10, s23, $0xb8;
	[tilespmem:$0x1E080] =	vst v63  }
0x68: {  	_ = 	snop  }
0x69: {  	[tilespmem:s26], [sflag:$0x2] =	stream.indirect.gather [hbm4b:s1+s23], $0x80, s25, s23, $0xb8;
	[tilespmem:$0x1E080] =	vst v63  }
0x6a: {  	_ =	swait.ge [sflag:s29], $0x3E80  }
0x6b: {  	[sflag:s29] =	ssyncset.done $0x0  }
0x6c: {  	s14 =	simm.s32 $0x1400;
	[sflag:s29] =	ssyncadd.s32 $0xFFFFC180  }
0x6d: {  	[spmem:s2] =	stream.indirect.scatter.add.f32 [tilespmem:s24], [sflag:$0x4], $0x80, s14, s23, $0xb8;
	[tilespmem:$0x1E080] =	vst v63  }
0x6e: {  	_ =	swait.ge [sflag:s21], $0x3E80  }
0x6f: {  	[sflag:s21] =	ssyncset.done $0x0  }
0x70: {  	s11 =	simm.s32 $0x100;
	[sflag:s21] =	ssyncadd.s32 $0xFFFFC180  }
0x71: {  	[tilespmem:s24], [sflag:$0x1] =	stream.indirect.gather [hbm4b:s1+s23], $0x80, s11, s23, $0xb8;
	[tilespmem:$0x1E080] =	vst v63  }
0x72: {  	_ =	swait.ge [sflag:s30], $0x3E80  }
0x73: {  	[sflag:s30] =	ssyncset.done $0x0  }
0x74: {  	s14 =	simm.s32 $0x1480;
	[sflag:s30] =	ssyncadd.s32 $0xFFFFC180  }
0x75: {  	[spmem:s2] =	stream.indirect.scatter.add.f32 [tilespmem:s26], [sflag:$0x4], $0x80, s14, s23, $0xb8;
	[tilespmem:$0x1E080] =	vst v63  }
0x76: {  	_ =	swait.ge [sflag:s21], $0x3E80  }
0x77: {  	[sflag:s21] =	ssyncset.done $0x0  }
0x78: {  	s10 =	simm.s32 $0x400;
	s11 =	simm.s32 $0x180;
	[sflag:s21] =	ssyncadd.s32 $0xFFFFC180  }
.LBB2_4:
0x79: {  	[tilespmem:s26], [sflag:$0x2] =	stream.indirect.gather [hbm4b:s1+s23], $0x80, s11, s23, $0xb8;
	[tilespmem:$0x1E080] =	vst v63  }
0x7a: {  	s11 =	smov.u32 s10  }
0x7b: {  	p5 =	sne.s32 s10, $0x4800;
	s10 =	sadd.s32 $0x400, s10;
	_ =	swait.ge [sflag:s29], $0x3E80  }
0x7c: {  	s11 =	sshra.s32 s11, $0x2;
	[sflag:s29] =	ssyncset.done $0x0  }
0x7d: {  	s14 =	sadd.s32 $0x1400, s11;
	[sflag:s29] =	ssyncadd.s32 $0xFFFFC180  }
0x7e: {  	[spmem:s2] =	stream.indirect.scatter.add.f32 [tilespmem:s24], [sflag:$0x4], $0x80, s14, s23, $0xb8;
	[tilespmem:$0x1E080] =	vst v63  }
0x7f: {  	_ =	swait.ge [sflag:s21], $0x3E80  }
0x80: {  	[sflag:s21] =	ssyncset.done $0x0  }
0x81: {  	s14 =	sadd.s32 $0x100, s11;
	[sflag:s21] =	ssyncadd.s32 $0xFFFFC180  }
0x82: {  	[tilespmem:s24], [sflag:$0x1] =	stream.indirect.gather [hbm4b:s1+s23], $0x80, s14, s23, $0xb8;
	[tilespmem:$0x1E080] =	vst v63  }
0x83: {  	_ =	swait.ge [sflag:s30], $0x3E80  }
0x84: {  	[sflag:s30] =	ssyncset.done $0x0  }
.Ltmp1:
0x85: {  	s14 =	sadd.s32 $0x1480, s11;
	[sflag:s30] =	ssyncadd.s32 $0xFFFFC180;
	(pc) =	sbr.rel @p5 .LBB2_4-.Ltmp1, $4  }
0x86: {  	[spmem:s2] =	stream.indirect.scatter.add.f32 [tilespmem:s26], [sflag:$0x4], $0x80, s14, s23, $0xb8;
	[tilespmem:$0x1E080] =	vst v63  }
0x87: {  	_ =	swait.ge [sflag:s21], $0x3E80  }
0x88: {  	[sflag:s21] =	ssyncset.done $0x0  }
0x89: {  	s11 =	sadd.s32 $0x180, s11;
	[sflag:s21] =	ssyncadd.s32 $0xFFFFC180  }
0x8a: {  	[tilespmem:s26], [sflag:$0x2] =	stream.indirect.gather [hbm4b:s1+s23], $0x80, s11, s23, $0xb8;
	[tilespmem:$0x1E080] =	vst v63  }
0x8b: {  	_ =	swait.ge [sflag:s29], $0x3E80  }
0x8c: {  	[sflag:s29] =	ssyncset.done $0x0  }
0x8d: {  	[sflag:s29] =	ssyncadd.s32 $0xFFFFC180  }
0x8e: {  	[spmem:s2] =	stream.indirect.scatter.add.f32 [tilespmem:s24], [sflag:$0x4], $0x80, s31, s23, $0xb8;
	[tilespmem:$0x1E080] =	vst v63  }
0x8f: {  	_ =	swait.ge [sflag:s21], $0x3E80  }
0x90: {  	[sflag:s21] =	ssyncset.done $0x0  }
0x91: {  	[sflag:s21] =	ssyncadd.s32 $0xFFFFC180  }
0x92: {  	_ =	swait.ge [sflag:s30], $0x3E80  }
0x93: {  	[sflag:s30] =	ssyncset.done $0x0  }
0x94: {  	[sflag:s30] =	ssyncadd.s32 $0xFFFFC180  }
0x95: {  	[spmem:s2] =	stream.indirect.scatter.add.f32 [tilespmem:s26], [sflag:$0x4], $0x80, s0, s23, $0xb8;
	[tilespmem:$0x1E080] =	vst v63  }
0x96: {  	_ =	swait.ge [sflag:s21], $0x3E80  }
0x97: {  	[sflag:s21] =	ssyncset.done $0x0  }
0x98: {  	s10 =	sshll.u32 @!p4 s3, $0x6;
	[sflag:s21] =	ssyncadd.s32 $0xFFFFC180  }
0x99: {  	s11 =	sshrl.u32 @!p4 s5, $0x3;
	s10 =	sor.u32 @!p4 $0x1C04, s10;
	[bflag:$0x0] =	sbarrier.arrive $0xFFFF  }
0x9a: {  	[hbm:s15], [sflag:s10] =	dma.local @!p4 [spmem:s11], $0x1900  }
0x9b: {  	s10 =	simm.s32 @!p4 $0x4  }
0x9c: {  	_ =	swait.ge @!p4 [sflag:s10], $0x1900  }
0x9d: {  	s11 =	sshll.u32 @p0 s3, $0x6;
	[sflag:s10] =	ssyncset.done @!p4 $0x0  }
0x9e: {  	[sflag:s10] =	ssyncadd.s32 @!p4 $0xFFFFE700;
	s10 =	sor.u32 @p0 $0x1C04, s11;
	s11 =	sshrl.u32 @p0 s5, $0x3  }
0x9f: {  	[hbm:s16], [sflag:s10] =	dma.local @p0 [spmem:s11], $0x1900  }
0xa0: {  	s10 =	simm.s32 @p0 $0x4  }
0xa1: {  	_ =	swait.ge @p0 [sflag:s10], $0x1900  }
0xa2: {  	s11 =	sshll.u32 @p1 s3, $0x6;
	[sflag:s10] =	ssyncset.done @p0 $0x0  }
0xa3: {  	[sflag:s10] =	ssyncadd.s32 @p0 $0xFFFFE700;
	s10 =	sor.u32 @p1 $0x1C04, s11;
	s11 =	sshrl.u32 @p1 s9, $0x3  }
0xa4: {  	[hbm:s17], [sflag:s10] =	dma.local @p1 [spmem:s11], $0x1900  }
0xa5: {  	s10 =	simm.s32 @p1 $0x4  }
0xa6: {  	s6 =	sadd.s32 $0x1, s6;
	_ =	swait.ge @p1 [sflag:s10], $0x1900  }
0xa7: {  	p5 =	sne.s32 s6, s19;
	s11 =	sshll.u32 @p2 s3, $0x6;
	[sflag:s10] =	ssyncset.done @p1 $0x0  }
0xa8: {  	[sflag:s10] =	ssyncadd.s32 @p1 $0xFFFFE700;
	s10 =	sor.u32 @p2 $0x1C04, s11;
	s11 =	sshrl.u32 @p2 s9, $0x3  }
0xa9: {  	[hbm:s18], [sflag:s10] =	dma.local @p2 [spmem:s11], $0x1900  }
.Ltmp2:
0xaa: {  	_ = 	snop;
	(pc) =	sbr.rel @p5 .LBB2_1-.Ltmp2, $4  }
0xab: {  	s10 =	simm.s32 @p2 $0x4  }
0xac: {  	_ =	swait.ge @p2 [sflag:s10], $0x1900  }
0xad: {  	[sflag:s10] =	ssyncset.done @p2 $0x0  }
0xae: {  	[sflag:s10] =	ssyncadd.s32 @p2 $0xFFFFE700  }
0xaf: {  	_ =	sfence.sel $0x180000  }
0xb0: {  	[bflag:$0x0] =	sbarrier.arrive $0xFFFF  }
0xb1: {  	_ =	strace $0x90000047  }
0xb2: {  	[bflag:$0x2] =	sbarrier.arrive $0xFFFF  }
0xb3: {  	p0 =	sne.s32 s3, $0x0;
	s0 =	rddreg [dreg:$0x4]  }
0xb4: {  	s0 =	sadd.s32 @!p0 $0x100000, s0  }
0xb5: {  	[sflag:s0] =	ssyncadd.tile.s32 @!p0 $0x1;
	_ =	shalt  }
.Lfunc_end2:
_tile_overlayer_lowered:
.L_overlay_start_2:
0xb6: {  	(tag) =	ssettag $0x2  }
0xb7: {  	s0 =	rddreg [dreg:$0x0];
	s2 =	stileid.u32  }
0xb8: {  	s1 =	rddreg [dreg:$0x1];
	p0 =	sne.s32 s2, $0x0  }
0xb9: {  	s3 =	rddreg [dreg:$0x2];
	[bflag:$0x3] =	sbarrier.arrive $0xFFFF;
	s2 =	simm.s32 @!p0 $0x1C04  }
0xba: {  	[timem:s3], [sflag:s2] =	dma.local @!p0 [hbm:s0], s1  }
0xbb: {  	s0 =	simm.s32 @!p0 $0x4  }
0xbc: {  	_ =	swait.ge @!p0 [sflag:s0], s1  }
0xbd: {  	s1 =	ssub.s32 @!p0 $0x0, s1;
	[sflag:s0] =	ssyncset.done @!p0 $0x0  }
0xbe: {  	[sflag:s0] =	ssyncadd.s32 @!p0 s1  }
0xbf: {  	[bflag:$0x3] =	sbarrier.arrive $0xFFFF  }
0xc0: {  	_ =	shalt  }

</sc_bundles>
